<compile_context>
chip_gen: v7x
topology: tpu7x:2x2x1
jax: 0.10.2.dev20260603
libtpu: 0.0.44.dev20260713+nightly
codegen_flags: <defaults>
</compile_context>

<pallas_src>
import functools

import numpy as np
import jax
import jax.numpy as jnp
from jax import lax
from jax.experimental import pallas as pl
from jax.experimental.pallas import tpu as pltpu
from jax.experimental.pallas import tpu_sc as plsc

N_EMBED = 128
TIMESTEPS = 1000
BATCH = 16384


def _build_table() -> np.ndarray:
    half = N_EMBED // 2
    b = (np.arange(TIMESTEPS, dtype=np.float32) / np.float32(10000.0))[:, None]
    e = (np.arange(half, dtype=np.float32) / np.float32(N_EMBED))[None, :]
    base = np.power(b, e, dtype=np.float32)
    emb = np.stack((np.sin(base), np.cos(base)), axis=-1).reshape(
        TIMESTEPS, N_EMBED
    )
    return emb.astype(np.float32)


_TABLE = _build_table()

_INFO = plsc.get_sparse_core_info()
_NC = _INFO.num_cores
_NS = _INFO.num_subcores
_NW = _NC * _NS
_B_PER_W = BATCH // _NW
_CHUNK = 64
_NCHUNK = _B_PER_W // _CHUNK


_mesh = plsc.VectorSubcoreMesh(core_axis_name="c", subcore_axis_name="s")


@functools.partial(
    pl.kernel,
    mesh=_mesh,
    out_type=jax.ShapeDtypeStruct((BATCH, N_EMBED), jnp.float32),
    scratch_types=[
        pltpu.VMEM_SHARED((TIMESTEPS, N_EMBED), jnp.float32),
        pltpu.VMEM((_B_PER_W,), jnp.int32),
        pltpu.VMEM((_B_PER_W, N_EMBED), jnp.float32),
    ]
    + [pltpu.SemaphoreType.DMA] * _NCHUNK
    + [pltpu.SemaphoreType.DMA],
)
def _gather_kernel(table_hbm, t_hbm, out_hbm, table_sp, idx_v, rows_v, *sems):
    gsems, osem = sems[:_NCHUNK], sems[_NCHUNK]
    sid = lax.axis_index("s")
    wid = sid * _NC + lax.axis_index("c")
    base = wid * _B_PER_W

    pltpu.sync_copy(t_hbm.at[pl.ds(base, _B_PER_W)], idx_v)

    _HBM_CHUNKS = 2
    gathers = []
    for j in range(_HBM_CHUNKS):
        gathers.append(
            pltpu.async_copy(
                table_hbm.at[idx_v.at[pl.ds(j * _CHUNK, _CHUNK)]],
                rows_v.at[pl.ds(j * _CHUNK, _CHUNK)],
                gsems[j],
            )
        )

    @pl.when(sid == 0)
    def _stage_table():
        pltpu.sync_copy(table_hbm, table_sp)

    plsc.subcore_barrier()

    for j in range(_HBM_CHUNKS, _NCHUNK):
        gathers.append(
            pltpu.async_copy(
                table_sp.at[idx_v.at[pl.ds(j * _CHUNK, _CHUNK)]],
                rows_v.at[pl.ds(j * _CHUNK, _CHUNK)],
                gsems[j],
            )
        )
    outs = []
    for j in range(_NCHUNK):
        gathers[j].wait()
        outs.append(
            pltpu.async_copy(
                rows_v.at[pl.ds(j * _CHUNK, _CHUNK)],
                out_hbm.at[pl.ds(base + j * _CHUNK, _CHUNK)],
                osem,
            )
        )
    for o in outs:
        o.wait()


def kernel(t):
    table = jnp.asarray(_TABLE)
    return _gather_kernel(table, t)

# --- scband reference (transcript-rebuilt; emitter-appended) ---
"""Pipeline reference for scband-positional-embeddings-18442589569931 (READ-ONLY COPY).

The authoritative reference and input builder live on the scoring server;
editing this copy changes nothing except your own understanding.
"""

import jax, jax.numpy as jnp
import numpy as np

N_EMBED = 128
TIMESTEPS = 1000
BATCH = 16384

def setup_inputs(seed: int = 0):
    key = jax.random.key(seed)
    t = jax.random.randint(key, (BATCH,), 0, 1000, dtype=jnp.int32)
    return {"t": t}

def reference(t):
    half_dim = N_EMBED // 2
    b = (jnp.arange(TIMESTEPS, dtype=jnp.float32) / 10000.0)[:, None]
    e = (jnp.arange(half_dim, dtype=jnp.float32) / float(N_EMBED))[None, :]
    base = b ** e
    emb = jnp.stack((jnp.sin(base), jnp.cos(base)), axis=-1).reshape(base.shape[0], half_dim * 2)
    out = emb[t]
    return out

if __name__ == "__main__":
    import jax
    _d = setup_inputs()
    print(jax.jit(kernel)(*tuple(_d.values())))

</pallas_src>

<mosaic_0001>
#map = affine_map<(d0, d1) -> (0, 0)>
#map1 = affine_map<(d0, d1) -> (0)>
module attributes {stable_mosaic.version = 14 : i64} {
  func.func @_gather_kernel(%arg0: i32, %arg1: i32, %arg2: memref<1000x128xf32, #tpu.memory_space<hbm>>, %arg3: memref<16384xi32, #tpu.memory_space<hbm>>, %arg4: memref<16384x128xf32, #tpu.memory_space<hbm>>, %arg5: memref<1000x128xf32, #tpu.memory_space<vmem_shared>>, %arg6: memref<512xi32, #tpu.memory_space<vmem>>, %arg7: memref<512x128xf32, #tpu.memory_space<vmem>>, %arg8: memref<!tpu.dma_semaphore, #tpu.memory_space<semaphore_mem>>, %arg9: memref<!tpu.dma_semaphore, #tpu.memory_space<semaphore_mem>>, %arg10: memref<!tpu.dma_semaphore, #tpu.memory_space<semaphore_mem>>, %arg11: memref<!tpu.dma_semaphore, #tpu.memory_space<semaphore_mem>>, %arg12: memref<!tpu.dma_semaphore, #tpu.memory_space<semaphore_mem>>, %arg13: memref<!tpu.dma_semaphore, #tpu.memory_space<semaphore_mem>>, %arg14: memref<!tpu.dma_semaphore, #tpu.memory_space<semaphore_mem>>, %arg15: memref<!tpu.dma_semaphore, #tpu.memory_space<semaphore_mem>>, %arg16: memref<!tpu.dma_semaphore, #tpu.memory_space<semaphore_mem>>) attributes {dimension_semantics = [#tpu.dimension_semantics<core_parallel>, #tpu.dimension_semantics<subcore_parallel>], iteration_bounds = array<i64: 2, 16>, scalar_prefetch = 0 : i64, scratch_operands = 12 : i64, tpu.core_type = #tpu.core_type<sc_vector_subcore>, window_params = [{transform_indices = #map}, {transform_indices = #map1}, {transform_indices = #map}]} {
    %mul3A = arith.constant 2 : i32
    %mul3A_0 = arith.muli %arg1, %mul3A : i32
    %add3A = arith.addi %mul3A_0, %arg0 : i32
    %mul3A_1 = arith.constant 512 : i32
    %mul3A_2 = arith.muli %add3A, %mul3A_1 : i32
    "tpu.region"() ({
      %run_scoped3A = tpu.sem_alloc : memref<!tpu.dma_semaphore, #tpu.memory_space<semaphore_mem>>
      %dma_start3A_307 = tpu.memref_slice %arg3[%mul3A_2] : memref<16384xi32, #tpu.memory_space<hbm>> -> memref<512xi32, #tpu.memory_space<hbm>>
      %dma_start3A_308 = tpu.memref_slice %arg3[%mul3A_2] : memref<16384xi32, #tpu.memory_space<hbm>> -> memref<512xi32, #tpu.memory_space<hbm>>
      tpu.enqueue_dma source(%dma_start3A_308 : memref<512xi32, #tpu.memory_space<hbm>>) target(%arg6 : memref<512xi32, #tpu.memory_space<vmem>>) target_semaphore(%run_scoped3A : memref<!tpu.dma_semaphore, #tpu.memory_space<semaphore_mem>>)
      %dma_wait3A_309 = tpu.memref_slice %arg3[%mul3A_2] : memref<16384xi32, #tpu.memory_space<hbm>> -> memref<512xi32, #tpu.memory_space<hbm>>
      %dma_wait3A_310 = tpu.memref_slice %arg3[%mul3A_2] : memref<16384xi32, #tpu.memory_space<hbm>> -> memref<512xi32, #tpu.memory_space<hbm>>
      tpu.wait_dma2 semaphore(%run_scoped3A : memref<!tpu.dma_semaphore, #tpu.memory_space<semaphore_mem>>) src(%dma_wait3A_310 : memref<512xi32, #tpu.memory_space<hbm>>) dst(%arg6 : memref<512xi32, #tpu.memory_space<vmem>>)
      tpu.yield
    }) : () -> ()
    %dma_start3A = arith.constant 0 : i32
    %dma_start3A_3 = arith.constant 0 : i32
    %dma_start3A_4 = tpu.memref_slice %arg7[%dma_start3A, %dma_start3A_3] : memref<512x128xf32, #tpu.memory_space<vmem>> -> memref<64x128xf32, #tpu.memory_space<vmem>>
    %dma_start3A_5 = arith.constant 0 : i32
    %dma_start3A_6 = tpu.memref_slice %arg6[%dma_start3A_5] : memref<512xi32, #tpu.memory_space<vmem>> -> memref<64xi32, #tpu.memory_space<vmem>>
    %dma_start3A_7 = arith.constant 0 : i32
    %dma_start3A_8 = arith.constant 0 : i32
    %dma_start3A_9 = tpu.memref_slice %arg2[%dma_start3A_7, %dma_start3A_8] : memref<1000x128xf32, #tpu.memory_space<hbm>> -> memref<1000x128xf32, #tpu.memory_space<hbm>>
    tpu.enqueue_indirect_dma source(%dma_start3A_9 : memref<1000x128xf32, #tpu.memory_space<hbm>>) target(%dma_start3A_4 : memref<64x128xf32, #tpu.memory_space<vmem>>) offsets(%dma_start3A_6 : memref<64xi32, #tpu.memory_space<vmem>>) semaphore(%arg8 : memref<!tpu.dma_semaphore, #tpu.memory_space<semaphore_mem>>)
    %dma_start3A_10 = arith.constant 64 : i32
    %dma_start3A_11 = arith.constant 0 : i32
    %dma_start3A_12 = tpu.memref_slice %arg7[%dma_start3A_10, %dma_start3A_11] : memref<512x128xf32, #tpu.memory_space<vmem>> -> memref<64x128xf32, #tpu.memory_space<vmem>>
    %dma_start3A_13 = arith.constant 64 : i32
    %dma_start3A_14 = tpu.memref_slice %arg6[%dma_start3A_13] : memref<512xi32, #tpu.memory_space<vmem>> -> memref<64xi32, #tpu.memory_space<vmem>>
    %dma_start3A_15 = arith.constant 0 : i32
    %dma_start3A_16 = arith.constant 0 : i32
    %dma_start3A_17 = tpu.memref_slice %arg2[%dma_start3A_15, %dma_start3A_16] : memref<1000x128xf32, #tpu.memory_space<hbm>> -> memref<1000x128xf32, #tpu.memory_space<hbm>>
    tpu.enqueue_indirect_dma source(%dma_start3A_17 : memref<1000x128xf32, #tpu.memory_space<hbm>>) target(%dma_start3A_12 : memref<64x128xf32, #tpu.memory_space<vmem>>) offsets(%dma_start3A_14 : memref<64xi32, #tpu.memory_space<vmem>>) semaphore(%arg9 : memref<!tpu.dma_semaphore, #tpu.memory_space<semaphore_mem>>)
    %eq3A = arith.constant 0 : i32
    %eq3A_18 = arith.cmpi eq, %arg1, %eq3A : i32
    %convert_element_type3A = arith.extui %eq3A_18 : i1 to i32
    %cond3A = arith.constant 0 : i32
    %cond3A_19 = arith.cmpi ne, %convert_element_type3A, %cond3A : i32
    scf.if %cond3A_19 {
      "tpu.region"() ({
        %run_scoped3A = tpu.sem_alloc : memref<!tpu.dma_semaphore, #tpu.memory_space<semaphore_mem>>
        tpu.enqueue_dma source(%arg2 : memref<1000x128xf32, #tpu.memory_space<hbm>>) target(%arg5 : memref<1000x128xf32, #tpu.memory_space<vmem_shared>>) target_semaphore(%run_scoped3A : memref<!tpu.dma_semaphore, #tpu.memory_space<semaphore_mem>>)
        tpu.wait_dma2 semaphore(%run_scoped3A : memref<!tpu.dma_semaphore, #tpu.memory_space<semaphore_mem>>) src(%arg2 : memref<1000x128xf32, #tpu.memory_space<hbm>>) dst(%arg5 : memref<1000x128xf32, #tpu.memory_space<vmem_shared>>)
        tpu.yield
      }) : () -> ()
    } else {
    }
    %barrier3A = arith.constant 0 : index
    tpu.barrier barrier_id(%barrier3A)
    %dma_start3A_20 = arith.constant 128 : i32
    %dma_start3A_21 = arith.constant 0 : i32
    %dma_start3A_22 = tpu.memref_slice %arg7[%dma_start3A_20, %dma_start3A_21] : memref<512x128xf32, #tpu.memory_space<vmem>> -> memref<64x128xf32, #tpu.memory_space<vmem>>
    %dma_start3A_23 = arith.constant 128 : i32
    %dma_start3A_24 = tpu.memref_slice %arg6[%dma_start3A_23] : memref<512xi32, #tpu.memory_space<vmem>> -> memref<64xi32, #tpu.memory_space<vmem>>
    %dma_start3A_25 = arith.constant 0 : i32
    %dma_start3A_26 = arith.constant 0 : i32
    %dma_start3A_27 = tpu.memref_slice %arg5[%dma_start3A_25, %dma_start3A_26] : memref<1000x128xf32, #tpu.memory_space<vmem_shared>> -> memref<1000x128xf32, #tpu.memory_space<vmem_shared>>
    tpu.enqueue_indirect_dma source(%dma_start3A_27 : memref<1000x128xf32, #tpu.memory_space<vmem_shared>>) target(%dma_start3A_22 : memref<64x128xf32, #tpu.memory_space<vmem>>) offsets(%dma_start3A_24 : memref<64xi32, #tpu.memory_space<vmem>>) semaphore(%arg10 : memref<!tpu.dma_semaphore, #tpu.memory_space<semaphore_mem>>)
    %dma_start3A_28 = arith.constant 192 : i32
    %dma_start3A_29 = arith.constant 0 : i32
    %dma_start3A_30 = tpu.memref_slice %arg7[%dma_start3A_28, %dma_start3A_29] : memref<512x128xf32, #tpu.memory_space<vmem>> -> memref<64x128xf32, #tpu.memory_space<vmem>>
    %dma_start3A_31 = arith.constant 192 : i32
    %dma_start3A_32 = tpu.memref_slice %arg6[%dma_start3A_31] : memref<512xi32, #tpu.memory_space<vmem>> -> memref<64xi32, #tpu.memory_space<vmem>>
    %dma_start3A_33 = arith.constant 0 : i32
    %dma_start3A_34 = arith.constant 0 : i32
    %dma_start3A_35 = tpu.memref_slice %arg5[%dma_start3A_33, %dma_start3A_34] : memref<1000x128xf32, #tpu.memory_space<vmem_shared>> -> memref<1000x128xf32, #tpu.memory_space<vmem_shared>>
    tpu.enqueue_indirect_dma source(%dma_start3A_35 : memref<1000x128xf32, #tpu.memory_space<vmem_shared>>) target(%dma_start3A_30 : memref<64x128xf32, #tpu.memory_space<vmem>>) offsets(%dma_start3A_32 : memref<64xi32, #tpu.memory_space<vmem>>) semaphore(%arg11 : memref<!tpu.dma_semaphore, #tpu.memory_space<semaphore_mem>>)
    %dma_start3A_36 = arith.constant 256 : i32
    %dma_start3A_37 = arith.constant 0 : i32
    %dma_start3A_38 = tpu.memref_slice %arg7[%dma_start3A_36, %dma_start3A_37] : memref<512x128xf32, #tpu.memory_space<vmem>> -> memref<64x128xf32, #tpu.memory_space<vmem>>
    %dma_start3A_39 = arith.constant 256 : i32
    %dma_start3A_40 = tpu.memref_slice %arg6[%dma_start3A_39] : memref<512xi32, #tpu.memory_space<vmem>> -> memref<64xi32, #tpu.memory_space<vmem>>
    %dma_start3A_41 = arith.constant 0 : i32
    %dma_start3A_42 = arith.constant 0 : i32
    %dma_start3A_43 = tpu.memref_slice %arg5[%dma_start3A_41, %dma_start3A_42] : memref<1000x128xf32, #tpu.memory_space<vmem_shared>> -> memref<1000x128xf32, #tpu.memory_space<vmem_shared>>
    tpu.enqueue_indirect_dma source(%dma_start3A_43 : memref<1000x128xf32, #tpu.memory_space<vmem_shared>>) target(%dma_start3A_38 : memref<64x128xf32, #tpu.memory_space<vmem>>) offsets(%dma_start3A_40 : memref<64xi32, #tpu.memory_space<vmem>>) semaphore(%arg12 : memref<!tpu.dma_semaphore, #tpu.memory_space<semaphore_mem>>)
    %dma_start3A_44 = arith.constant 320 : i32
    %dma_start3A_45 = arith.constant 0 : i32
    %dma_start3A_46 = tpu.memref_slice %arg7[%dma_start3A_44, %dma_start3A_45] : memref<512x128xf32, #tpu.memory_space<vmem>> -> memref<64x128xf32, #tpu.memory_space<vmem>>
    %dma_start3A_47 = arith.constant 320 : i32
    %dma_start3A_48 = tpu.memref_slice %arg6[%dma_start3A_47] : memref<512xi32, #tpu.memory_space<vmem>> -> memref<64xi32, #tpu.memory_space<vmem>>
    %dma_start3A_49 = arith.constant 0 : i32
    %dma_start3A_50 = arith.constant 0 : i32
    %dma_start3A_51 = tpu.memref_slice %arg5[%dma_start3A_49, %dma_start3A_50] : memref<1000x128xf32, #tpu.memory_space<vmem_shared>> -> memref<1000x128xf32, #tpu.memory_space<vmem_shared>>
    tpu.enqueue_indirect_dma source(%dma_start3A_51 : memref<1000x128xf32, #tpu.memory_space<vmem_shared>>) target(%dma_start3A_46 : memref<64x128xf32, #tpu.memory_space<vmem>>) offsets(%dma_start3A_48 : memref<64xi32, #tpu.memory_space<vmem>>) semaphore(%arg13 : memref<!tpu.dma_semaphore, #tpu.memory_space<semaphore_mem>>)
    %dma_start3A_52 = arith.constant 384 : i32
    %dma_start3A_53 = arith.constant 0 : i32
    %dma_start3A_54 = tpu.memref_slice %arg7[%dma_start3A_52, %dma_start3A_53] : memref<512x128xf32, #tpu.memory_space<vmem>> -> memref<64x128xf32, #tpu.memory_space<vmem>>
    %dma_start3A_55 = arith.constant 384 : i32
    %dma_start3A_56 = tpu.memref_slice %arg6[%dma_start3A_55] : memref<512xi32, #tpu.memory_space<vmem>> -> memref<64xi32, #tpu.memory_space<vmem>>
    %dma_start3A_57 = arith.constant 0 : i32
    %dma_start3A_58 = arith.constant 0 : i32
    %dma_start3A_59 = tpu.memref_slice %arg5[%dma_start3A_57, %dma_start3A_58] : memref<1000x128xf32, #tpu.memory_space<vmem_shared>> -> memref<1000x128xf32, #tpu.memory_space<vmem_shared>>
    tpu.enqueue_indirect_dma source(%dma_start3A_59 : memref<1000x128xf32, #tpu.memory_space<vmem_shared>>) target(%dma_start3A_54 : memref<64x128xf32, #tpu.memory_space<vmem>>) offsets(%dma_start3A_56 : memref<64xi32, #tpu.memory_space<vmem>>) semaphore(%arg14 : memref<!tpu.dma_semaphore, #tpu.memory_space<semaphore_mem>>)
    %dma_start3A_60 = arith.constant 448 : i32
    %dma_start3A_61 = arith.constant 0 : i32
    %dma_start3A_62 = tpu.memref_slice %arg7[%dma_start3A_60, %dma_start3A_61] : memref<512x128xf32, #tpu.memory_space<vmem>> -> memref<64x128xf32, #tpu.memory_space<vmem>>
    %dma_start3A_63 = arith.constant 448 : i32
    %dma_start3A_64 = tpu.memref_slice %arg6[%dma_start3A_63] : memref<512xi32, #tpu.memory_space<vmem>> -> memref<64xi32, #tpu.memory_space<vmem>>
    %dma_start3A_65 = arith.constant 0 : i32
    %dma_start3A_66 = arith.constant 0 : i32
    %dma_start3A_67 = tpu.memref_slice %arg5[%dma_start3A_65, %dma_start3A_66] : memref<1000x128xf32, #tpu.memory_space<vmem_shared>> -> memref<1000x128xf32, #tpu.memory_space<vmem_shared>>
    tpu.enqueue_indirect_dma source(%dma_start3A_67 : memref<1000x128xf32, #tpu.memory_space<vmem_shared>>) target(%dma_start3A_62 : memref<64x128xf32, #tpu.memory_space<vmem>>) offsets(%dma_start3A_64 : memref<64xi32, #tpu.memory_space<vmem>>) semaphore(%arg15 : memref<!tpu.dma_semaphore, #tpu.memory_space<semaphore_mem>>)
    %dma_wait3A = arith.constant 0 : i32
    %dma_wait3A_68 = arith.constant 0 : i32
    %dma_wait3A_69 = tpu.memref_slice %arg7[%dma_wait3A, %dma_wait3A_68] : memref<512x128xf32, #tpu.memory_space<vmem>> -> memref<64x128xf32, #tpu.memory_space<vmem>>
    %dma_wait3A_70 = arith.constant 0 : i32
    %dma_wait3A_71 = tpu.memref_slice %arg6[%dma_wait3A_70] : memref<512xi32, #tpu.memory_space<vmem>> -> memref<64xi32, #tpu.memory_space<vmem>>
    %dma_wait3A_72 = arith.constant 0 : i32
    %dma_wait3A_73 = arith.constant 0 : i32
    %dma_wait3A_74 = tpu.memref_slice %arg2[%dma_wait3A_72, %dma_wait3A_73] : memref<1000x128xf32, #tpu.memory_space<hbm>> -> memref<1000x128xf32, #tpu.memory_space<hbm>>
    tpu.wait_indirect_dma semaphore(%arg8 : memref<!tpu.dma_semaphore, #tpu.memory_space<semaphore_mem>>) src(%dma_wait3A_74 : memref<1000x128xf32, #tpu.memory_space<hbm>>) dst(%dma_wait3A_69 : memref<64x128xf32, #tpu.memory_space<vmem>>)
    %add3A_75 = arith.constant 0 : i32
    %add3A_76 = arith.addi %mul3A_2, %add3A_75 : i32
    %dma_start3A_77 = arith.constant 0 : i32
    %dma_start3A_78 = arith.constant 0 : i32
    %dma_start3A_79 = tpu.memref_slice %arg7[%dma_start3A_77, %dma_start3A_78] : memref<512x128xf32, #tpu.memory_space<vmem>> -> memref<64x128xf32, #tpu.memory_space<vmem>>
    %dma_start3A_80 = arith.constant 0 : i32
    %dma_start3A_81 = tpu.memref_slice %arg4[%add3A_76, %dma_start3A_80] : memref<16384x128xf32, #tpu.memory_space<hbm>> -> memref<64x128xf32, #tpu.memory_space<hbm>>
    %dma_start3A_82 = arith.constant 0 : i32
    %dma_start3A_83 = tpu.memref_slice %arg4[%add3A_76, %dma_start3A_82] : memref<16384x128xf32, #tpu.memory_space<hbm>> -> memref<64x128xf32, #tpu.memory_space<hbm>>
    %dma_start3A_84 = arith.constant 0 : i32
    %dma_start3A_85 = arith.constant 0 : i32
    %dma_start3A_86 = tpu.memref_slice %arg7[%dma_start3A_84, %dma_start3A_85] : memref<512x128xf32, #tpu.memory_space<vmem>> -> memref<64x128xf32, #tpu.memory_space<vmem>>
    tpu.enqueue_dma source(%dma_start3A_86 : memref<64x128xf32, #tpu.memory_space<vmem>>) target(%dma_start3A_83 : memref<64x128xf32, #tpu.memory_space<hbm>>) target_semaphore(%arg16 : memref<!tpu.dma_semaphore, #tpu.memory_space<semaphore_mem>>)
    %dma_wait3A_87 = arith.constant 64 : i32
    %dma_wait3A_88 = arith.constant 0 : i32
    %dma_wait3A_89 = tpu.memref_slice %arg7[%dma_wait3A_87, %dma_wait3A_88] : memref<512x128xf32, #tpu.memory_space<vmem>> -> memref<64x128xf32, #tpu.memory_space<vmem>>
    %dma_wait3A_90 = arith.constant 64 : i32
    %dma_wait3A_91 = tpu.memref_slice %arg6[%dma_wait3A_90] : memref<512xi32, #tpu.memory_space<vmem>> -> memref<64xi32, #tpu.memory_space<vmem>>
    %dma_wait3A_92 = arith.constant 0 : i32
    %dma_wait3A_93 = arith.constant 0 : i32
    %dma_wait3A_94 = tpu.memref_slice %arg2[%dma_wait3A_92, %dma_wait3A_93] : memref<1000x128xf32, #tpu.memory_space<hbm>> -> memref<1000x128xf32, #tpu.memory_space<hbm>>
    tpu.wait_indirect_dma semaphore(%arg9 : memref<!tpu.dma_semaphore, #tpu.memory_space<semaphore_mem>>) src(%dma_wait3A_94 : memref<1000x128xf32, #tpu.memory_space<hbm>>) dst(%dma_wait3A_89 : memref<64x128xf32, #tpu.memory_space<vmem>>)
    %add3A_95 = arith.constant 64 : i32
    %add3A_96 = arith.addi %mul3A_2, %add3A_95 : i32
    %dma_start3A_97 = arith.constant 64 : i32
    %dma_start3A_98 = arith.constant 0 : i32
    %dma_start3A_99 = tpu.memref_slice %arg7[%dma_start3A_97, %dma_start3A_98] : memref<512x128xf32, #tpu.memory_space<vmem>> -> memref<64x128xf32, #tpu.memory_space<vmem>>
    %dma_start3A_100 = arith.constant 0 : i32
    %dma_start3A_101 = tpu.memref_slice %arg4[%add3A_96, %dma_start3A_100] : memref<16384x128xf32, #tpu.memory_space<hbm>> -> memref<64x128xf32, #tpu.memory_space<hbm>>
    %dma_start3A_102 = arith.constant 0 : i32
    %dma_start3A_103 = tpu.memref_slice %arg4[%add3A_96, %dma_start3A_102] : memref<16384x128xf32, #tpu.memory_space<hbm>> -> memref<64x128xf32, #tpu.memory_space<hbm>>
    %dma_start3A_104 = arith.constant 64 : i32
    %dma_start3A_105 = arith.constant 0 : i32
    %dma_start3A_106 = tpu.memref_slice %arg7[%dma_start3A_104, %dma_start3A_105] : memref<512x128xf32, #tpu.memory_space<vmem>> -> memref<64x128xf32, #tpu.memory_space<vmem>>
    tpu.enqueue_dma source(%dma_start3A_106 : memref<64x128xf32, #tpu.memory_space<vmem>>) target(%dma_start3A_103 : memref<64x128xf32, #tpu.memory_space<hbm>>) target_semaphore(%arg16 : memref<!tpu.dma_semaphore, #tpu.memory_space<semaphore_mem>>)
    %dma_wait3A_107 = arith.constant 128 : i32
    %dma_wait3A_108 = arith.constant 0 : i32
    %dma_wait3A_109 = tpu.memref_slice %arg7[%dma_wait3A_107, %dma_wait3A_108] : memref<512x128xf32, #tpu.memory_space<vmem>> -> memref<64x128xf32, #tpu.memory_space<vmem>>
    %dma_wait3A_110 = arith.constant 128 : i32
    %dma_wait3A_111 = tpu.memref_slice %arg6[%dma_wait3A_110] : memref<512xi32, #tpu.memory_space<vmem>> -> memref<64xi32, #tpu.memory_space<vmem>>
    %dma_wait3A_112 = arith.constant 0 : i32
    %dma_wait3A_113 = arith.constant 0 : i32
    %dma_wait3A_114 = tpu.memref_slice %arg5[%dma_wait3A_112, %dma_wait3A_113] : memref<1000x128xf32, #tpu.memory_space<vmem_shared>> -> memref<1000x128xf32, #tpu.memory_space<vmem_shared>>
    tpu.wait_indirect_dma semaphore(%arg10 : memref<!tpu.dma_semaphore, #tpu.memory_space<semaphore_mem>>) src(%dma_wait3A_114 : memref<1000x128xf32, #tpu.memory_space<vmem_shared>>) dst(%dma_wait3A_109 : memref<64x128xf32, #tpu.memory_space<vmem>>)
    %add3A_115 = arith.constant 128 : i32
    %add3A_116 = arith.addi %mul3A_2, %add3A_115 : i32
    %dma_start3A_117 = arith.constant 128 : i32
    %dma_start3A_118 = arith.constant 0 : i32
    %dma_start3A_119 = tpu.memref_slice %arg7[%dma_start3A_117, %dma_start3A_118] : memref<512x128xf32, #tpu.memory_space<vmem>> -> memref<64x128xf32, #tpu.memory_space<vmem>>
    %dma_start3A_120 = arith.constant 0 : i32
    %dma_start3A_121 = tpu.memref_slice %arg4[%add3A_116, %dma_start3A_120] : memref<16384x128xf32, #tpu.memory_space<hbm>> -> memref<64x128xf32, #tpu.memory_space<hbm>>
    %dma_start3A_122 = arith.constant 0 : i32
    %dma_start3A_123 = tpu.memref_slice %arg4[%add3A_116, %dma_start3A_122] : memref<16384x128xf32, #tpu.memory_space<hbm>> -> memref<64x128xf32, #tpu.memory_space<hbm>>
    %dma_start3A_124 = arith.constant 128 : i32
    %dma_start3A_125 = arith.constant 0 : i32
    %dma_start3A_126 = tpu.memref_slice %arg7[%dma_start3A_124, %dma_start3A_125] : memref<512x128xf32, #tpu.memory_space<vmem>> -> memref<64x128xf32, #tpu.memory_space<vmem>>
    tpu.enqueue_dma source(%dma_start3A_126 : memref<64x128xf32, #tpu.memory_space<vmem>>) target(%dma_start3A_123 : memref<64x128xf32, #tpu.memory_space<hbm>>) target_semaphore(%arg16 : memref<!tpu.dma_semaphore, #tpu.memory_space<semaphore_mem>>)
    %dma_wait3A_127 = arith.constant 192 : i32
    %dma_wait3A_128 = arith.constant 0 : i32
    %dma_wait3A_129 = tpu.memref_slice %arg7[%dma_wait3A_127, %dma_wait3A_128] : memref<512x128xf32, #tpu.memory_space<vmem>> -> memref<64x128xf32, #tpu.memory_space<vmem>>
    %dma_wait3A_130 = arith.constant 192 : i32
    %dma_wait3A_131 = tpu.memref_slice %arg6[%dma_wait3A_130] : memref<512xi32, #tpu.memory_space<vmem>> -> memref<64xi32, #tpu.memory_space<vmem>>
    %dma_wait3A_132 = arith.constant 0 : i32
    %dma_wait3A_133 = arith.constant 0 : i32
    %dma_wait3A_134 = tpu.memref_slice %arg5[%dma_wait3A_132, %dma_wait3A_133] : memref<1000x128xf32, #tpu.memory_space<vmem_shared>> -> memref<1000x128xf32, #tpu.memory_space<vmem_shared>>
    tpu.wait_indirect_dma semaphore(%arg11 : memref<!tpu.dma_semaphore, #tpu.memory_space<semaphore_mem>>) src(%dma_wait3A_134 : memref<1000x128xf32, #tpu.memory_space<vmem_shared>>) dst(%dma_wait3A_129 : memref<64x128xf32, #tpu.memory_space<vmem>>)
    %add3A_135 = arith.constant 192 : i32
    %add3A_136 = arith.addi %mul3A_2, %add3A_135 : i32
    %dma_start3A_137 = arith.constant 192 : i32
    %dma_start3A_138 = arith.constant 0 : i32
    %dma_start3A_139 = tpu.memref_slice %arg7[%dma_start3A_137, %dma_start3A_138] : memref<512x128xf32, #tpu.memory_space<vmem>> -> memref<64x128xf32, #tpu.memory_space<vmem>>
    %dma_start3A_140 = arith.constant 0 : i32
    %dma_start3A_141 = tpu.memref_slice %arg4[%add3A_136, %dma_start3A_140] : memref<16384x128xf32, #tpu.memory_space<hbm>> -> memref<64x128xf32, #tpu.memory_space<hbm>>
    %dma_start3A_142 = arith.constant 0 : i32
    %dma_start3A_143 = tpu.memref_slice %arg4[%add3A_136, %dma_start3A_142] : memref<16384x128xf32, #tpu.memory_space<hbm>> -> memref<64x128xf32, #tpu.memory_space<hbm>>
    %dma_start3A_144 = arith.constant 192 : i32
    %dma_start3A_145 = arith.constant 0 : i32
    %dma_start3A_146 = tpu.memref_slice %arg7[%dma_start3A_144, %dma_start3A_145] : memref<512x128xf32, #tpu.memory_space<vmem>> -> memref<64x128xf32, #tpu.memory_space<vmem>>
    tpu.enqueue_dma source(%dma_start3A_146 : memref<64x128xf32, #tpu.memory_space<vmem>>) target(%dma_start3A_143 : memref<64x128xf32, #tpu.memory_space<hbm>>) target_semaphore(%arg16 : memref<!tpu.dma_semaphore, #tpu.memory_space<semaphore_mem>>)
    %dma_wait3A_147 = arith.constant 256 : i32
    %dma_wait3A_148 = arith.constant 0 : i32
    %dma_wait3A_149 = tpu.memref_slice %arg7[%dma_wait3A_147, %dma_wait3A_148] : memref<512x128xf32, #tpu.memory_space<vmem>> -> memref<64x128xf32, #tpu.memory_space<vmem>>
    %dma_wait3A_150 = arith.constant 256 : i32
    %dma_wait3A_151 = tpu.memref_slice %arg6[%dma_wait3A_150] : memref<512xi32, #tpu.memory_space<vmem>> -> memref<64xi32, #tpu.memory_space<vmem>>
    %dma_wait3A_152 = arith.constant 0 : i32
    %dma_wait3A_153 = arith.constant 0 : i32
    %dma_wait3A_154 = tpu.memref_slice %arg5[%dma_wait3A_152, %dma_wait3A_153] : memref<1000x128xf32, #tpu.memory_space<vmem_shared>> -> memref<1000x128xf32, #tpu.memory_space<vmem_shared>>
    tpu.wait_indirect_dma semaphore(%arg12 : memref<!tpu.dma_semaphore, #tpu.memory_space<semaphore_mem>>) src(%dma_wait3A_154 : memref<1000x128xf32, #tpu.memory_space<vmem_shared>>) dst(%dma_wait3A_149 : memref<64x128xf32, #tpu.memory_space<vmem>>)
    %add3A_155 = arith.constant 256 : i32
    %add3A_156 = arith.addi %mul3A_2, %add3A_155 : i32
    %dma_start3A_157 = arith.constant 256 : i32
    %dma_start3A_158 = arith.constant 0 : i32
    %dma_start3A_159 = tpu.memref_slice %arg7[%dma_start3A_157, %dma_start3A_158] : memref<512x128xf32, #tpu.memory_space<vmem>> -> memref<64x128xf32, #tpu.memory_space<vmem>>
    %dma_start3A_160 = arith.constant 0 : i32
    %dma_start3A_161 = tpu.memref_slice %arg4[%add3A_156, %dma_start3A_160] : memref<16384x128xf32, #tpu.memory_space<hbm>> -> memref<64x128xf32, #tpu.memory_space<hbm>>
    %dma_start3A_162 = arith.constant 0 : i32
    %dma_start3A_163 = tpu.memref_slice %arg4[%add3A_156, %dma_start3A_162] : memref<16384x128xf32, #tpu.memory_space<hbm>> -> memref<64x128xf32, #tpu.memory_space<hbm>>
    %dma_start3A_164 = arith.constant 256 : i32
    %dma_start3A_165 = arith.constant 0 : i32
    %dma_start3A_166 = tpu.memref_slice %arg7[%dma_start3A_164, %dma_start3A_165] : memref<512x128xf32, #tpu.memory_space<vmem>> -> memref<64x128xf32, #tpu.memory_space<vmem>>
    tpu.enqueue_dma source(%dma_start3A_166 : memref<64x128xf32, #tpu.memory_space<vmem>>) target(%dma_start3A_163 : memref<64x128xf32, #tpu.memory_space<hbm>>) target_semaphore(%arg16 : memref<!tpu.dma_semaphore, #tpu.memory_space<semaphore_mem>>)
    %dma_wait3A_167 = arith.constant 320 : i32
    %dma_wait3A_168 = arith.constant 0 : i32
    %dma_wait3A_169 = tpu.memref_slice %arg7[%dma_wait3A_167, %dma_wait3A_168] : memref<512x128xf32, #tpu.memory_space<vmem>> -> memref<64x128xf32, #tpu.memory_space<vmem>>
    %dma_wait3A_170 = arith.constant 320 : i32
    %dma_wait3A_171 = tpu.memref_slice %arg6[%dma_wait3A_170] : memref<512xi32, #tpu.memory_space<vmem>> -> memref<64xi32, #tpu.memory_space<vmem>>
    %dma_wait3A_172 = arith.constant 0 : i32
    %dma_wait3A_173 = arith.constant 0 : i32
    %dma_wait3A_174 = tpu.memref_slice %arg5[%dma_wait3A_172, %dma_wait3A_173] : memref<1000x128xf32, #tpu.memory_space<vmem_shared>> -> memref<1000x128xf32, #tpu.memory_space<vmem_shared>>
    tpu.wait_indirect_dma semaphore(%arg13 : memref<!tpu.dma_semaphore, #tpu.memory_space<semaphore_mem>>) src(%dma_wait3A_174 : memref<1000x128xf32, #tpu.memory_space<vmem_shared>>) dst(%dma_wait3A_169 : memref<64x128xf32, #tpu.memory_space<vmem>>)
    %add3A_175 = arith.constant 320 : i32
    %add3A_176 = arith.addi %mul3A_2, %add3A_175 : i32
    %dma_start3A_177 = arith.constant 320 : i32
    %dma_start3A_178 = arith.constant 0 : i32
    %dma_start3A_179 = tpu.memref_slice %arg7[%dma_start3A_177, %dma_start3A_178] : memref<512x128xf32, #tpu.memory_space<vmem>> -> memref<64x128xf32, #tpu.memory_space<vmem>>
    %dma_start3A_180 = arith.constant 0 : i32
    %dma_start3A_181 = tpu.memref_slice %arg4[%add3A_176, %dma_start3A_180] : memref<16384x128xf32, #tpu.memory_space<hbm>> -> memref<64x128xf32, #tpu.memory_space<hbm>>
    %dma_start3A_182 = arith.constant 0 : i32
    %dma_start3A_183 = tpu.memref_slice %arg4[%add3A_176, %dma_start3A_182] : memref<16384x128xf32, #tpu.memory_space<hbm>> -> memref<64x128xf32, #tpu.memory_space<hbm>>
    %dma_start3A_184 = arith.constant 320 : i32
    %dma_start3A_185 = arith.constant 0 : i32
    %dma_start3A_186 = tpu.memref_slice %arg7[%dma_start3A_184, %dma_start3A_185] : memref<512x128xf32, #tpu.memory_space<vmem>> -> memref<64x128xf32, #tpu.memory_space<vmem>>
    tpu.enqueue_dma source(%dma_start3A_186 : memref<64x128xf32, #tpu.memory_space<vmem>>) target(%dma_start3A_183 : memref<64x128xf32, #tpu.memory_space<hbm>>) target_semaphore(%arg16 : memref<!tpu.dma_semaphore, #tpu.memory_space<semaphore_mem>>)
    %dma_wait3A_187 = arith.constant 384 : i32
    %dma_wait3A_188 = arith.constant 0 : i32
    %dma_wait3A_189 = tpu.memref_slice %arg7[%dma_wait3A_187, %dma_wait3A_188] : memref<512x128xf32, #tpu.memory_space<vmem>> -> memref<64x128xf32, #tpu.memory_space<vmem>>
    %dma_wait3A_190 = arith.constant 384 : i32
    %dma_wait3A_191 = tpu.memref_slice %arg6[%dma_wait3A_190] : memref<512xi32, #tpu.memory_space<vmem>> -> memref<64xi32, #tpu.memory_space<vmem>>
    %dma_wait3A_192 = arith.constant 0 : i32
    %dma_wait3A_193 = arith.constant 0 : i32
    %dma_wait3A_194 = tpu.memref_slice %arg5[%dma_wait3A_192, %dma_wait3A_193] : memref<1000x128xf32, #tpu.memory_space<vmem_shared>> -> memref<1000x128xf32, #tpu.memory_space<vmem_shared>>
    tpu.wait_indirect_dma semaphore(%arg14 : memref<!tpu.dma_semaphore, #tpu.memory_space<semaphore_mem>>) src(%dma_wait3A_194 : memref<1000x128xf32, #tpu.memory_space<vmem_shared>>) dst(%dma_wait3A_189 : memref<64x128xf32, #tpu.memory_space<vmem>>)
    %add3A_195 = arith.constant 384 : i32
    %add3A_196 = arith.addi %mul3A_2, %add3A_195 : i32
    %dma_start3A_197 = arith.constant 384 : i32
    %dma_start3A_198 = arith.constant 0 : i32
    %dma_start3A_199 = tpu.memref_slice %arg7[%dma_start3A_197, %dma_start3A_198] : memref<512x128xf32, #tpu.memory_space<vmem>> -> memref<64x128xf32, #tpu.memory_space<vmem>>
    %dma_start3A_200 = arith.constant 0 : i32
    %dma_start3A_201 = tpu.memref_slice %arg4[%add3A_196, %dma_start3A_200] : memref<16384x128xf32, #tpu.memory_space<hbm>> -> memref<64x128xf32, #tpu.memory_space<hbm>>
    %dma_start3A_202 = arith.constant 0 : i32
    %dma_start3A_203 = tpu.memref_slice %arg4[%add3A_196, %dma_start3A_202] : memref<16384x128xf32, #tpu.memory_space<hbm>> -> memref<64x128xf32, #tpu.memory_space<hbm>>
    %dma_start3A_204 = arith.constant 384 : i32
    %dma_start3A_205 = arith.constant 0 : i32
    %dma_start3A_206 = tpu.memref_slice %arg7[%dma_start3A_204, %dma_start3A_205] : memref<512x128xf32, #tpu.memory_space<vmem>> -> memref<64x128xf32, #tpu.memory_space<vmem>>
    tpu.enqueue_dma source(%dma_start3A_206 : memref<64x128xf32, #tpu.memory_space<vmem>>) target(%dma_start3A_203 : memref<64x128xf32, #tpu.memory_space<hbm>>) target_semaphore(%arg16 : memref<!tpu.dma_semaphore, #tpu.memory_space<semaphore_mem>>)
    %dma_wait3A_207 = arith.constant 448 : i32
    %dma_wait3A_208 = arith.constant 0 : i32
    %dma_wait3A_209 = tpu.memref_slice %arg7[%dma_wait3A_207, %dma_wait3A_208] : memref<512x128xf32, #tpu.memory_space<vmem>> -> memref<64x128xf32, #tpu.memory_space<vmem>>
    %dma_wait3A_210 = arith.constant 448 : i32
    %dma_wait3A_211 = tpu.memref_slice %arg6[%dma_wait3A_210] : memref<512xi32, #tpu.memory_space<vmem>> -> memref<64xi32, #tpu.memory_space<vmem>>
    %dma_wait3A_212 = arith.constant 0 : i32
    %dma_wait3A_213 = arith.constant 0 : i32
    %dma_wait3A_214 = tpu.memref_slice %arg5[%dma_wait3A_212, %dma_wait3A_213] : memref<1000x128xf32, #tpu.memory_space<vmem_shared>> -> memref<1000x128xf32, #tpu.memory_space<vmem_shared>>
    tpu.wait_indirect_dma semaphore(%arg15 : memref<!tpu.dma_semaphore, #tpu.memory_space<semaphore_mem>>) src(%dma_wait3A_214 : memref<1000x128xf32, #tpu.memory_space<vmem_shared>>) dst(%dma_wait3A_209 : memref<64x128xf32, #tpu.memory_space<vmem>>)
    %add3A_215 = arith.constant 448 : i32
    %add3A_216 = arith.addi %mul3A_2, %add3A_215 : i32
    %dma_start3A_217 = arith.constant 448 : i32
    %dma_start3A_218 = arith.constant 0 : i32
    %dma_start3A_219 = tpu.memref_slice %arg7[%dma_start3A_217, %dma_start3A_218] : memref<512x128xf32, #tpu.memory_space<vmem>> -> memref<64x128xf32, #tpu.memory_space<vmem>>
    %dma_start3A_220 = arith.constant 0 : i32
    %dma_start3A_221 = tpu.memref_slice %arg4[%add3A_216, %dma_start3A_220] : memref<16384x128xf32, #tpu.memory_space<hbm>> -> memref<64x128xf32, #tpu.memory_space<hbm>>
    %dma_start3A_222 = arith.constant 0 : i32
    %dma_start3A_223 = tpu.memref_slice %arg4[%add3A_216, %dma_start3A_222] : memref<16384x128xf32, #tpu.memory_space<hbm>> -> memref<64x128xf32, #tpu.memory_space<hbm>>
    %dma_start3A_224 = arith.constant 448 : i32
    %dma_start3A_225 = arith.constant 0 : i32
    %dma_start3A_226 = tpu.memref_slice %arg7[%dma_start3A_224, %dma_start3A_225] : memref<512x128xf32, #tpu.memory_space<vmem>> -> memref<64x128xf32, #tpu.memory_space<vmem>>
    tpu.enqueue_dma source(%dma_start3A_226 : memref<64x128xf32, #tpu.memory_space<vmem>>) target(%dma_start3A_223 : memref<64x128xf32, #tpu.memory_space<hbm>>) target_semaphore(%arg16 : memref<!tpu.dma_semaphore, #tpu.memory_space<semaphore_mem>>)
    %dma_wait3A_227 = arith.constant 0 : i32
    %dma_wait3A_228 = arith.constant 0 : i32
    %dma_wait3A_229 = tpu.memref_slice %arg7[%dma_wait3A_227, %dma_wait3A_228] : memref<512x128xf32, #tpu.memory_space<vmem>> -> memref<64x128xf32, #tpu.memory_space<vmem>>
    %dma_wait3A_230 = arith.constant 0 : i32
    %dma_wait3A_231 = tpu.memref_slice %arg4[%add3A_76, %dma_wait3A_230] : memref<16384x128xf32, #tpu.memory_space<hbm>> -> memref<64x128xf32, #tpu.memory_space<hbm>>
    %dma_wait3A_232 = arith.constant 0 : i32
    %dma_wait3A_233 = tpu.memref_slice %arg4[%add3A_76, %dma_wait3A_232] : memref<16384x128xf32, #tpu.memory_space<hbm>> -> memref<64x128xf32, #tpu.memory_space<hbm>>
    %dma_wait3A_234 = arith.constant 0 : i32
    %dma_wait3A_235 = arith.constant 0 : i32
    %dma_wait3A_236 = tpu.memref_slice %arg7[%dma_wait3A_234, %dma_wait3A_235] : memref<512x128xf32, #tpu.memory_space<vmem>> -> memref<64x128xf32, #tpu.memory_space<vmem>>
    tpu.wait_dma2 semaphore(%arg16 : memref<!tpu.dma_semaphore, #tpu.memory_space<semaphore_mem>>) src(%dma_wait3A_236 : memref<64x128xf32, #tpu.memory_space<vmem>>) dst(%dma_wait3A_233 : memref<64x128xf32, #tpu.memory_space<hbm>>)
    %dma_wait3A_237 = arith.constant 64 : i32
    %dma_wait3A_238 = arith.constant 0 : i32
    %dma_wait3A_239 = tpu.memref_slice %arg7[%dma_wait3A_237, %dma_wait3A_238] : memref<512x128xf32, #tpu.memory_space<vmem>> -> memref<64x128xf32, #tpu.memory_space<vmem>>
    %dma_wait3A_240 = arith.constant 0 : i32
    %dma_wait3A_241 = tpu.memref_slice %arg4[%add3A_96, %dma_wait3A_240] : memref<16384x128xf32, #tpu.memory_space<hbm>> -> memref<64x128xf32, #tpu.memory_space<hbm>>
    %dma_wait3A_242 = arith.constant 0 : i32
    %dma_wait3A_243 = tpu.memref_slice %arg4[%add3A_96, %dma_wait3A_242] : memref<16384x128xf32, #tpu.memory_space<hbm>> -> memref<64x128xf32, #tpu.memory_space<hbm>>
    %dma_wait3A_244 = arith.constant 64 : i32
    %dma_wait3A_245 = arith.constant 0 : i32
    %dma_wait3A_246 = tpu.memref_slice %arg7[%dma_wait3A_244, %dma_wait3A_245] : memref<512x128xf32, #tpu.memory_space<vmem>> -> memref<64x128xf32, #tpu.memory_space<vmem>>
    tpu.wait_dma2 semaphore(%arg16 : memref<!tpu.dma_semaphore, #tpu.memory_space<semaphore_mem>>) src(%dma_wait3A_246 : memref<64x128xf32, #tpu.memory_space<vmem>>) dst(%dma_wait3A_243 : memref<64x128xf32, #tpu.memory_space<hbm>>)
    %dma_wait3A_247 = arith.constant 128 : i32
    %dma_wait3A_248 = arith.constant 0 : i32
    %dma_wait3A_249 = tpu.memref_slice %arg7[%dma_wait3A_247, %dma_wait3A_248] : memref<512x128xf32, #tpu.memory_space<vmem>> -> memref<64x128xf32, #tpu.memory_space<vmem>>
    %dma_wait3A_250 = arith.constant 0 : i32
    %dma_wait3A_251 = tpu.memref_slice %arg4[%add3A_116, %dma_wait3A_250] : memref<16384x128xf32, #tpu.memory_space<hbm>> -> memref<64x128xf32, #tpu.memory_space<hbm>>
    %dma_wait3A_252 = arith.constant 0 : i32
    %dma_wait3A_253 = tpu.memref_slice %arg4[%add3A_116, %dma_wait3A_252] : memref<16384x128xf32, #tpu.memory_space<hbm>> -> memref<64x128xf32, #tpu.memory_space<hbm>>
    %dma_wait3A_254 = arith.constant 128 : i32
    %dma_wait3A_255 = arith.constant 0 : i32
    %dma_wait3A_256 = tpu.memref_slice %arg7[%dma_wait3A_254, %dma_wait3A_255] : memref<512x128xf32, #tpu.memory_space<vmem>> -> memref<64x128xf32, #tpu.memory_space<vmem>>
    tpu.wait_dma2 semaphore(%arg16 : memref<!tpu.dma_semaphore, #tpu.memory_space<semaphore_mem>>) src(%dma_wait3A_256 : memref<64x128xf32, #tpu.memory_space<vmem>>) dst(%dma_wait3A_253 : memref<64x128xf32, #tpu.memory_space<hbm>>)
    %dma_wait3A_257 = arith.constant 192 : i32
    %dma_wait3A_258 = arith.constant 0 : i32
    %dma_wait3A_259 = tpu.memref_slice %arg7[%dma_wait3A_257, %dma_wait3A_258] : memref<512x128xf32, #tpu.memory_space<vmem>> -> memref<64x128xf32, #tpu.memory_space<vmem>>
    %dma_wait3A_260 = arith.constant 0 : i32
    %dma_wait3A_261 = tpu.memref_slice %arg4[%add3A_136, %dma_wait3A_260] : memref<16384x128xf32, #tpu.memory_space<hbm>> -> memref<64x128xf32, #tpu.memory_space<hbm>>
    %dma_wait3A_262 = arith.constant 0 : i32
    %dma_wait3A_263 = tpu.memref_slice %arg4[%add3A_136, %dma_wait3A_262] : memref<16384x128xf32, #tpu.memory_space<hbm>> -> memref<64x128xf32, #tpu.memory_space<hbm>>
    %dma_wait3A_264 = arith.constant 192 : i32
    %dma_wait3A_265 = arith.constant 0 : i32
    %dma_wait3A_266 = tpu.memref_slice %arg7[%dma_wait3A_264, %dma_wait3A_265] : memref<512x128xf32, #tpu.memory_space<vmem>> -> memref<64x128xf32, #tpu.memory_space<vmem>>
    tpu.wait_dma2 semaphore(%arg16 : memref<!tpu.dma_semaphore, #tpu.memory_space<semaphore_mem>>) src(%dma_wait3A_266 : memref<64x128xf32, #tpu.memory_space<vmem>>) dst(%dma_wait3A_263 : memref<64x128xf32, #tpu.memory_space<hbm>>)
    %dma_wait3A_267 = arith.constant 256 : i32
    %dma_wait3A_268 = arith.constant 0 : i32
    %dma_wait3A_269 = tpu.memref_slice %arg7[%dma_wait3A_267, %dma_wait3A_268] : memref<512x128xf32, #tpu.memory_space<vmem>> -> memref<64x128xf32, #tpu.memory_space<vmem>>
    %dma_wait3A_270 = arith.constant 0 : i32
    %dma_wait3A_271 = tpu.memref_slice %arg4[%add3A_156, %dma_wait3A_270] : memref<16384x128xf32, #tpu.memory_space<hbm>> -> memref<64x128xf32, #tpu.memory_space<hbm>>
    %dma_wait3A_272 = arith.constant 0 : i32
    %dma_wait3A_273 = tpu.memref_slice %arg4[%add3A_156, %dma_wait3A_272] : memref<16384x128xf32, #tpu.memory_space<hbm>> -> memref<64x128xf32, #tpu.memory_space<hbm>>
    %dma_wait3A_274 = arith.constant 256 : i32
    %dma_wait3A_275 = arith.constant 0 : i32
    %dma_wait3A_276 = tpu.memref_slice %arg7[%dma_wait3A_274, %dma_wait3A_275] : memref<512x128xf32, #tpu.memory_space<vmem>> -> memref<64x128xf32, #tpu.memory_space<vmem>>
    tpu.wait_dma2 semaphore(%arg16 : memref<!tpu.dma_semaphore, #tpu.memory_space<semaphore_mem>>) src(%dma_wait3A_276 : memref<64x128xf32, #tpu.memory_space<vmem>>) dst(%dma_wait3A_273 : memref<64x128xf32, #tpu.memory_space<hbm>>)
    %dma_wait3A_277 = arith.constant 320 : i32
    %dma_wait3A_278 = arith.constant 0 : i32
    %dma_wait3A_279 = tpu.memref_slice %arg7[%dma_wait3A_277, %dma_wait3A_278] : memref<512x128xf32, #tpu.memory_space<vmem>> -> memref<64x128xf32, #tpu.memory_space<vmem>>
    %dma_wait3A_280 = arith.constant 0 : i32
    %dma_wait3A_281 = tpu.memref_slice %arg4[%add3A_176, %dma_wait3A_280] : memref<16384x128xf32, #tpu.memory_space<hbm>> -> memref<64x128xf32, #tpu.memory_space<hbm>>
    %dma_wait3A_282 = arith.constant 0 : i32
    %dma_wait3A_283 = tpu.memref_slice %arg4[%add3A_176, %dma_wait3A_282] : memref<16384x128xf32, #tpu.memory_space<hbm>> -> memref<64x128xf32, #tpu.memory_space<hbm>>
    %dma_wait3A_284 = arith.constant 320 : i32
    %dma_wait3A_285 = arith.constant 0 : i32
    %dma_wait3A_286 = tpu.memref_slice %arg7[%dma_wait3A_284, %dma_wait3A_285] : memref<512x128xf32, #tpu.memory_space<vmem>> -> memref<64x128xf32, #tpu.memory_space<vmem>>
    tpu.wait_dma2 semaphore(%arg16 : memref<!tpu.dma_semaphore, #tpu.memory_space<semaphore_mem>>) src(%dma_wait3A_286 : memref<64x128xf32, #tpu.memory_space<vmem>>) dst(%dma_wait3A_283 : memref<64x128xf32, #tpu.memory_space<hbm>>)
    %dma_wait3A_287 = arith.constant 384 : i32
    %dma_wait3A_288 = arith.constant 0 : i32
    %dma_wait3A_289 = tpu.memref_slice %arg7[%dma_wait3A_287, %dma_wait3A_288] : memref<512x128xf32, #tpu.memory_space<vmem>> -> memref<64x128xf32, #tpu.memory_space<vmem>>
    %dma_wait3A_290 = arith.constant 0 : i32
    %dma_wait3A_291 = tpu.memref_slice %arg4[%add3A_196, %dma_wait3A_290] : memref<16384x128xf32, #tpu.memory_space<hbm>> -> memref<64x128xf32, #tpu.memory_space<hbm>>
    %dma_wait3A_292 = arith.constant 0 : i32
    %dma_wait3A_293 = tpu.memref_slice %arg4[%add3A_196, %dma_wait3A_292] : memref<16384x128xf32, #tpu.memory_space<hbm>> -> memref<64x128xf32, #tpu.memory_space<hbm>>
    %dma_wait3A_294 = arith.constant 384 : i32
    %dma_wait3A_295 = arith.constant 0 : i32
    %dma_wait3A_296 = tpu.memref_slice %arg7[%dma_wait3A_294, %dma_wait3A_295] : memref<512x128xf32, #tpu.memory_space<vmem>> -> memref<64x128xf32, #tpu.memory_space<vmem>>
    tpu.wait_dma2 semaphore(%arg16 : memref<!tpu.dma_semaphore, #tpu.memory_space<semaphore_mem>>) src(%dma_wait3A_296 : memref<64x128xf32, #tpu.memory_space<vmem>>) dst(%dma_wait3A_293 : memref<64x128xf32, #tpu.memory_space<hbm>>)
    %dma_wait3A_297 = arith.constant 448 : i32
    %dma_wait3A_298 = arith.constant 0 : i32
    %dma_wait3A_299 = tpu.memref_slice %arg7[%dma_wait3A_297, %dma_wait3A_298] : memref<512x128xf32, #tpu.memory_space<vmem>> -> memref<64x128xf32, #tpu.memory_space<vmem>>
    %dma_wait3A_300 = arith.constant 0 : i32
    %dma_wait3A_301 = tpu.memref_slice %arg4[%add3A_216, %dma_wait3A_300] : memref<16384x128xf32, #tpu.memory_space<hbm>> -> memref<64x128xf32, #tpu.memory_space<hbm>>
    %dma_wait3A_302 = arith.constant 0 : i32
    %dma_wait3A_303 = tpu.memref_slice %arg4[%add3A_216, %dma_wait3A_302] : memref<16384x128xf32, #tpu.memory_space<hbm>> -> memref<64x128xf32, #tpu.memory_space<hbm>>
    %dma_wait3A_304 = arith.constant 448 : i32
    %dma_wait3A_305 = arith.constant 0 : i32
    %dma_wait3A_306 = tpu.memref_slice %arg7[%dma_wait3A_304, %dma_wait3A_305] : memref<512x128xf32, #tpu.memory_space<vmem>> -> memref<64x128xf32, #tpu.memory_space<vmem>>
    tpu.wait_dma2 semaphore(%arg16 : memref<!tpu.dma_semaphore, #tpu.memory_space<semaphore_mem>>) src(%dma_wait3A_306 : memref<64x128xf32, #tpu.memory_space<vmem>>) dst(%dma_wait3A_303 : memref<64x128xf32, #tpu.memory_space<hbm>>)
    return
  }
}

</mosaic_0001>

<sc_bundles>
// kernel: kernel.3.cloned.1.call-start
scs
__scs_entry_jumppad:
0x0: {  	(pc) =	sbr.rel $0x88, $3  }
0x1: {  	(tag) =	ssettag $0x0;
	lr =	simm.s32 $0x1  }
0x2: {  	[smem:$0x3FA0] =	sst lr;
	_ =	strace $0xD0000000  }
0x3: {  	_ = 	snop  }
0x4: {  	_ = 	snop  }
0x5: {  	_ = 	snop  }
0x6: {  	_ = 	snop  }
0x7: {  	_ = 	snop  }
__scs_overlays_trampoline_lowered:
0x8: {  	[smem:$0x3FAF] =	sst s0  }
0x9: {  	[smem:$0x3FB0] =	sst s1  }
0xa: {  	[smem:$0x3FB1] =	sst s2  }
0xb: {  	[smem:$0x3FB2] =	sst s3  }
0xc: {  	[smem:$0x3FB3] =	sst s4  }
0xd: {  	[smem:$0x3FB4] =	sst s5  }
0xe: {  	[smem:$0x3FB5] =	sst s6  }
0xf: {  	[smem:$0x3FB6] =	sst s7  }
0x10: {  	[smem:$0x3FB7] =	sst s8  }
0x11: {  	[smem:$0x3FB8] =	sst s9;
	s0 =	simm.s32 @!p0 $0x0  }
0x12: {  	s1 =	sld [smem:$0x3F9E];
	s0 =	simm.s32 @p0 $0x1  }
0x13: {  	[smem:$0x3FB9] =	sst s0;
	s0 =	simm.s32 @!p1 $0x0  }
0x14: {  	s2 =	sld [smem:$0x3F9D];
	s0 =	simm.s32 @p1 $0x1  }
0x15: {  	[smem:$0x3FBA] =	sst s0;
	s0 =	simm.s32 @!p2 $0x0  }
0x16: {  	s3 =	sld [smem:$0x3FDB];
	s0 =	simm.s32 @p2 $0x1  }
0x17: {  	s4 =	simm.s32 $0x1BF5;
	[smem:$0x3FBC] =	sst s0  }
0x18: {  	s0 =	sld [smem:$0x3F9F];
	_ =	swait.ge [sflag:s4], $0x0  }
0x19: {  	s7 =	sld [smem:$0x3FA0]  }
0x1a: {  	s8 =	sadd.s32 $0xFFFFE003, lr  }
0x1b: {  	s9 =	sadd.s32 $0xFFFFFEF7, lr;
	s5 =	simm.s32 $0xFFFFFFFF;
	p2 =	slt.u32 s8, $0xFFFFF086  }
0x1c: {  	p1 =	slt.u32 s9, $0xF7A;
	s5 =	simm.s32 @!p2 $0x0  }
0x1d: {  	s5 =	simm.s32 @p1 $0x1;
	p0 =	seq.s32 s7, s2  }
0x1e: {  	s7 =	smul.u32 @!p0 $0xF7A, s2;
	p2 =	seq.s32 @!p0 s5, $0x0  }
0x1f: {  	s9 =	smul.u32 $0xF7A, s1;
	s8 =	simm.s32 @!p0 $0x1BF5;
	p2 =	por !p2, p0  }
0x20: {  	[sflag:s8] =	ssyncset.s32 @!p0 $0xFFFFF086;
	s6 =	sadd.s32 @!p0 s3, s7;
	s7 =	simm.s32 @!p0 $0x108  }
0x21: {  	s3 =	sadd.s32 s3, s9;
	s6 =	sadd.s32 @!p0 $0x88, s6;
	s7 =	simm.s32 @p2 $0x1082  }
0x22: {  	[simem:s7], [sflag:s8] =	dma.local @!p0 [hbm:s6], $0xF7A  }
0x23: {  	s9 =	sor.u32 $0xD0000000, s2;
	s6 =	simm.s32 $0x108;
	_ =	swait.ge @!p0 [sflag:s8], $0x0  }
0x24: {  	s3 =	sadd.s32 $0x88, s3;
	s6 =	simm.s32 @!p1 $0x1082;
	[sflag:s4] =	ssyncset.s32 $0xFFFFF086  }
0x25: {  	[simem:s6], [sflag:s4] =	dma.local [hbm:s3], $0xF7A  }
0x26: {  	[smem:$0x3FA0] =	sst s1;
	(tag) =	ssettag s2;
	_ =	strace s9  }
0x27: {  	s1 =	sld [smem:$0x3FB0]  }
0x28: {  	s2 =	sld [smem:$0x3FB1]  }
0x29: {  	s4 =	sld [smem:$0x3FB3]  }
0x2a: {  	p0 =	seq.s32 s5, $0x0;
	s5 =	sld [smem:$0x3FB4]  }
0x2b: {  	s6 =	sld [smem:$0x3FB5]  }
0x2c: {  	s7 =	sld [smem:$0x3FB6]  }
0x2d: {  	s3 =	simm.s32 $0x108;
	s8 =	sld [smem:$0x3FB7]  }
0x2e: {  	s3 =	simm.s32 @!p0 $0x1082;
	s9 =	sld [smem:$0x3FB8]  }
0x2f: {  	lr =	sadd.s32 s0, s3;
	s0 =	sld [smem:$0x3FAF]  }
0x30: {  	s3 =	sld [smem:$0x3FB2]  }
0x31: {  	[smem:$0x3FBB] =	sst s10  }
0x32: {  	s10 =	sld [smem:$0x3FB9];
	_ =	sdelay $0x3  }
0x33: {  	p0 =	seq.s32 s10, $0x1;
	s10 =	sld [smem:$0x3FBB];
	_ =	sdelay $0x3  }
0x34: {  	[smem:$0x3FBB] =	sst s10  }
0x35: {  	s10 =	sld [smem:$0x3FBA];
	_ =	sdelay $0x3  }
0x36: {  	p1 =	seq.s32 s10, $0x1;
	s10 =	sld [smem:$0x3FBB];
	_ =	sdelay $0x3  }
0x37: {  	[smem:$0x3FBB] =	sst s10  }
0x38: {  	s10 =	sld [smem:$0x3FBC]  }
0x39: {  	_ = 	snop;
	(pc) =	sbr.ind lr, $3  }
0x3a: {  	_ = 	snop  }
0x3b: {  	_ = 	snop  }
0x3c: {  	p2 =	seq.s32 s10, $0x1;
	s10 =	sld [smem:$0x3FBB]  }
0x3d: {  	_ =	shalt  }
0x3e: {  	_ =	shalt  }
0x3f: {  	_ =	shalt  }
0x40: {  	_ =	shalt  }
0x41: {  	_ =	shalt  }
0x42: {  	_ =	shalt  }
0x43: {  	_ =	shalt  }
0x44: {  	_ =	shalt  }
0x45: {  	_ =	shalt  }
0x46: {  	_ =	shalt  }
0x47: {  	_ =	shalt  }
0x48: {  	_ =	shalt  }
0x49: {  	_ =	shalt  }
0x4a: {  	_ =	shalt  }
0x4b: {  	_ =	shalt  }
0x4c: {  	_ =	shalt  }
0x4d: {  	_ =	shalt  }
0x4e: {  	_ =	shalt  }
0x4f: {  	_ =	shalt  }
0x50: {  	_ =	shalt  }
0x51: {  	_ =	shalt  }
0x52: {  	_ =	shalt  }
0x53: {  	_ =	shalt  }
0x54: {  	_ =	shalt  }
0x55: {  	_ =	shalt  }
0x56: {  	_ =	shalt  }
0x57: {  	_ =	shalt  }
0x58: {  	_ =	shalt  }
0x59: {  	_ =	shalt  }
0x5a: {  	_ =	shalt  }
0x5b: {  	_ =	shalt  }
0x5c: {  	_ =	shalt  }
0x5d: {  	_ =	shalt  }
0x5e: {  	_ =	shalt  }
0x5f: {  	_ =	shalt  }
0x60: {  	_ =	shalt  }
0x61: {  	_ =	shalt  }
0x62: {  	_ =	shalt  }
0x63: {  	_ =	shalt  }
0x64: {  	_ =	shalt  }
0x65: {  	_ =	shalt  }
0x66: {  	_ =	shalt  }
0x67: {  	_ =	shalt  }
0x68: {  	_ =	shalt  }
0x69: {  	_ =	shalt  }
0x6a: {  	_ =	shalt  }
0x6b: {  	_ =	shalt  }
0x6c: {  	_ =	shalt  }
0x6d: {  	_ =	shalt  }
0x6e: {  	_ =	shalt  }
0x6f: {  	_ =	shalt  }
0x70: {  	_ =	shalt  }
0x71: {  	_ =	shalt  }
0x72: {  	_ =	shalt  }
0x73: {  	_ =	shalt  }
0x74: {  	_ =	shalt  }
0x75: {  	_ =	shalt  }
0x76: {  	_ =	shalt  }
0x77: {  	_ =	shalt  }
0x78: {  	_ =	shalt  }
0x79: {  	_ =	shalt  }
0x7a: {  	_ =	shalt  }
0x7b: {  	_ =	shalt  }
0x7c: {  	_ =	shalt  }
0x7d: {  	_ =	shalt  }
0x7e: {  	_ =	shalt  }
0x7f: {  	_ =	shalt  }
0x80: {  	_ =	shalt  }
0x81: {  	_ =	shalt  }
0x82: {  	_ =	shalt  }
0x83: {  	_ =	shalt  }
0x84: {  	_ =	shalt  }
0x85: {  	_ =	shalt  }
0x86: {  	_ =	shalt  }
0x87: {  	_ =	shalt  }
.Lfunc_end0:
.L_simem_size_0:
called_computation_lowered:
.L_overlay_start_0:
0x88: {  	s2 =	sld [smem:$0x3FD9]  }
0x89: {  	s3 =	sld [smem:$0x3FFE];
	_ =	sdelay $0x1  }
0x8a: {  	s1 =	srdreg.scid  }
0x8b: {  	s0 =	sand.u32 $0x1, s1  }
0x8c: {  	s17 =	sshll.u32 s0, $0xA;
	s2 =	sadd.s32 s3, s2  }
0x8d: {  	s2 =	sadd.s32 s2, s17  }
0x8e: {  	[smem:$0x3FC7] =	sst s2  }
0x8f: {  	_ = 	snop  }
0x90: {  	s2 =	sld [smem:$0x3FC9]  }
0x91: {  	s18 =	sld [smem:$0x3FD0];
	(tm) =	ssettm $0x1  }
0x92: {  	s4 =	sld [smem:$0x3FFB];
	_ =	sdelay $0x3  }
0x93: {  	_ =	strace s4  }
0x94: {  	s4 =	sld [smem:$0x3FFC];
	_ =	sdelay $0x3  }
0x95: {  	_ =	strace s4  }
0x96: {  	s4 =	sld [smem:$0x3FFD];
	_ =	sdelay $0x3  }
0x97: {  	_ =	strace s4  }
0x98: {  	_ =	strace $0x8FFFFFFF  }
0x99: {  	s19 =	sld [smem:$0x3FDB];
	_ =	sdelay $0x1  }
0x9a: {  	s5 =	simm.s32 $_scs_section_size  }
0x9b: {  	s6 =	simm.s32 $_size__tile_overlayer_lowered;
	s7 =	simm.s32 $_tile_overlayer_lowered  }
0x9c: {  	s22 =	simm.s32 $0x1BFF;
	s21 =	sshll.u32 s7, $0x1;
	s4 =	sadd.s32 s5, s19  }
0x9d: {  	s8 =	simm.s32 $0x0;
	s20 =	sshll.u32 s6, $0x1;
	s6 =	sadd.s32 s21, s4  }
0x9e: {  	[timem:s8], [sflag:s22] =	dma.local [hbm:s6], s20  }
0x9f: {  	_ =	swait.ge [sflag:s22], s20  }
0xa0: {  	s5 =	ssub.s32 $0x0, s20;
	[sflag:s22] =	ssyncset.done $0x0  }
0xa1: {  	[sflag:s22] =	ssyncadd.s32 s5;
	_ =	sdelay $0x1  }
0xa2: {  	s23 =	simm.s32 $0x1B8B  }
0xa3: {  	_ =	swait.ge [sflag:s23], $0x1  }
0xa4: {  	[sflag:s23] =	ssyncset.done $0x0  }
0xa5: {  	s25 =	simm.s32 $0x1B8E;
	s24 =	sld [smem:$0x3FFE];
	[sflag:s23] =	ssyncadd.s32 $0xFFFFFFFF  }
0xa6: {  	s26 =	simm.s32 $execute0_lowered;
	[smem:$0x3FD2] =	sst s25  }
0xa7: {  	s6 =	sshll.u32 s26, $0x1;
	_ =	strace $0x80000046;
	[dreg:$0x1] =	wrdreg $0xFFFFFFFF  }
0xa8: {  	s28 =	simm.s32 $_size_execute0_lowered;
	s4 =	sadd.s32 s4, s6;
	[dreg:$0x0] =	wrdreg $0x0  }
0xa9: {  	s6 =	sshll.u32 s28, $0x1;
	[dreg:$0x2] =	wrdreg s4  }
0xaa: {  	[dreg:$0x3] =	wrdreg s6  }
0xab: {  	[dreg:$0x4] =	wrdreg $0xC0  }
0xac: {  	_ =	task [dreg:s8], $0x5FFFF  }
0xad: {  	[dreg:$0x1] =	wrdreg $0xFFFFFFFF  }
0xae: {  	[dreg:$0x0] =	wrdreg $0x60  }
0xaf: {  	[dreg:$0x2] =	wrdreg s24  }
0xb0: {  	[dreg:$0x3] =	wrdreg s2  }
0xb1: {  	[dreg:$0x4] =	wrdreg s18  }
0xb2: {  	[dreg:$0x5] =	wrdreg $0x0  }
0xb3: {  	[dreg:$0x6] =	wrdreg $0x9  }
0xb4: {  	_ =	task.clear_ibuf [dreg:s8], $0x7FFFF;
	_ =	strace $0x90000046  }
0xb5: {  	s29 =	simm.s32 $0x9;
	_ =	strace $0x80000048  }
0xb6: {  	_ =	swait.ge [sflag:s29], $0x1  }
0xb7: {  	[sflag:s29] =	ssyncadd.s32 $0xFFFFFFFF  }
0xb8: {  	_ =	strace $0x90000048  }
0xb9: {  	_ =	sfence  }
0xba: {  	s30 =	sld [smem:$0x0];
	_ =	sdelay $0x2  }
0xbb: {  	s31 =	sshll.u32 s1, $0xD;
	s1 =	sshrl.u32 s1, $0x2  }
0xbc: {  	s3 =	sand.u32 $0x4000, s31;
	s1 =	sadd.s32 s1, s30  }
0xbd: {  	s0 =	sor.u32 s3, s0;
	s1 =	sshll.u32 s1, $0x11  }
0xbe: {  	s0 =	sor.u32 s1, s0  }
0xbf: {  	s0 =	sadd.s32 $0x8F2B, s0  }
0xc0: {  	[sflag:s0] =	ssyncadd.remote.s32 $0x1  }
0xc1: {  	_ =	sfence.sel $0xFFFF  }
0xc2: {  	[dreg:$0x0] =	wrdreg $0xFFFFFFFF;
	(pc) =	sbr.abs _section_cstart, $3  }
0xc3: {  	[dreg:$0x1] =	wrdreg $0xFFFFFFFF  }
0xc4: {  	_ =	task.clear_ibuf [dreg:s8], $0x2FFFF;
	_ =	strace $0x9FFFFFFF  }
0xc5: {  	(tm) =	ssettm $0x7FFFFFFF  }
tec
execute0_lowered:
.L_overlay_start_1:
0x0: {  	(tag) =	ssettag $0x1  }
0x1: {  	s0 =	rddreg [dreg:$0x0]  }
0x2: {  	s3 =	rddreg [dreg:$0x1]  }
0x3: {  	s4 =	rddreg [dreg:$0x2]  }
0x4: {  	s1 =	srdreg.scid;
	s2 =	rddreg [dreg:$0x3]  }
0x5: {  	s5 =	stileid.u32;
	s23 =	rddreg [dreg:$0x4];
	s22 =	simm.s32 $0x1F40  }
0x6: {  	s24 =	simm.s32 $0xA;
	s21 =	simm.s32 $0x1F80;
	s25 =	simm.s32 $0x1FC0  }
0x7: {  	s26 =	simm.s32 $0x2000;
	s9 =	simm.s32 $0x8140;
	s31 =	simm.s32 $0x2040  }
0x8: {  	s28 =	simm.s32 $0x20C0;
	s29 =	simm.s32 $0x2100;
	p1 =	por $0x0, $0x0  }
0x9: {  	s10 =	simm.s32 $0x8;
	s6 =	sand.u32 $0x1, s1;
	s1 =	simm.s32 $0x0  }
0xa: {  	s7 =	sshll.u32 s5, $0xA;
	s18 =	sadd.s32 $0x400, s0;
	[smem:$0x7FF] =	sst s1  }
0xb: {  	p0 =	sne.s32 s5, $0x0;
	_ =	strace $0x80000047;
	[dreg:$0xd] =	wrdreg s21  }
0xc: {  	s5 =	simm.s32 $0x10140;
	s8 =	sshll.u32 s6, $0x9;
	[dreg:$0xf] =	wrdreg s25  }
0xd: {  	s6 =	ssub.s32 $0x2, s6;
	s7 =	sor.u32 s8, s7;
	[dreg:$0x10] =	wrdreg s26  }
0xe: {  	s17 =	sshrl.u32 s6, $0x1;
	[dreg:$0x11] =	wrdreg s31;
	s25 =	simm.s32 $0x2080  }
0xf: {  	s26 =	simm.s32 $0x1;
	s21 =	simm.s32 $0x2;
	s8 =	sshrl.u32 s7, $0x3  }
0x10: {  	s7 =	sshll.u32 s7, $0x4;
	s20 =	ssub.s32 s6, s17;
	s6 =	simm.s32 $0xE140  }
0x11: {  	s17 =	simm.s32 $0x5;
	s3 =	sadd.s32 s3, s8;
	s4 =	sadd.s32 s4, s7  }
0x12: {  	s0 =	smax.u32 s20, $0x1;
	[dreg:$0x5] =	wrdreg s3;
	s11 =	sadd.s32 $0x400, s4  }
0x13: {  	s8 =	simm.s32 $0xA140;
	s12 =	sadd.s32 $0x800, s4;
	[dreg:$0x6] =	wrdreg s11  }
0x14: {  	s7 =	simm.s32 $0xC140;
	s13 =	sadd.s32 $0xC00, s4;
	[dreg:$0x7] =	wrdreg s12  }
0x15: {  	s20 =	simm.s32 $0x3;
	s14 =	sadd.s32 $0x1000, s4;
	[dreg:$0x8] =	wrdreg s13  }
0x16: {  	s15 =	sadd.s32 $0x1400, s4;
	s30 =	sadd.s32 $0xFFFFFFFF, s0;
	[dreg:$0x9] =	wrdreg s14  }
0x17: {  	s16 =	sadd.s32 $0x1800, s4;
	[dreg:$0xa] =	wrdreg s15;
	p2 =	sne.s32 s30, $0x0  }
.Ltmp0:
0x18: {  	s19 =	sadd.s32 $0x1C00, s4;
	[dreg:$0xb] =	wrdreg s16;
	(pc) =	sbr.rel @!p2 .LBB2_5-.Ltmp0, $4  }
0x19: {  	s3 =	sshrl.u32 @!p0 s2, $0x3;
	[dreg:$0xc] =	wrdreg s19;
	s16 =	simm.s32 $0x40  }
0x1a: {  	s13 =	simm.s32 $0x2140;
	s12 =	simm.s32 $0x4140;
	[dreg:$0xe] =	wrdreg s3  }
0x1b: {  	s11 =	simm.s32 $0x6140;
	s19 =	simm.s32 $0x4;
	s15 =	simm.s32 $0x6  }
0x1c: {  	s14 =	simm.s32 $0x7;
	s3 =	simm.s32 $0x9;
	s0 =	rddreg [dreg:$0x5]  }
0x1d: {  	[tilespmem:s22], [sflag:$0xA] =	stream.linear.gather [hbm4b:s0+s1], $0x200, $0x38;
	[tilespmem:$0x12140] =	vst v63  }
0x1e: {  	_ =	swait.ge [sflag:s24], $0x200  }
0x1f: {  	[dreg:$0x12] =	wrdreg s30;
	[sflag:s24] =	ssyncset.done $0x0  }
0x20: {  	s0 =	rddreg [dreg:$0xe];
	[sflag:s24] =	ssyncadd.s32 $0xFFFFFE00  }
0x21: {  	[tilespmem:s13], [sflag:$0x1] =	stream.indirect.gather [hbm4b:s18+s16], $0x80, s22, s16, $0xb8;
	[tilespmem:$0x12140] =	vst v63  }
0x22: {  	s28 =	simm.s32 @!p0 $0x1C0A;
	s30 =	simm.s32 @!p0 $0xA;
	s31 =	rddreg [dreg:$0xd]  }
0x23: {  	[tilespmem:s12], [sflag:$0x2] =	stream.indirect.gather [hbm4b:s18+s16], $0x80, s31, s16, $0xb8;
	[tilespmem:$0x12140] =	vst v63  }
0x24: {  	[spmem:s0], [sflag:s28] =	dma.local @!p0 [hbm:s18], $0x3E80  }
0x25: {  	_ =	swait.ge @!p0 [sflag:s30], $0x3E80  }
0x26: {  	[sflag:s30] =	ssyncset.done @!p0 $0x0  }
0x27: {  	[sflag:s30] =	ssyncadd.s32 @!p0 $0xFFFFC180  }
0x28: {  	[bflag:$0x0] =	sbarrier.arrive $0xFFFF  }
0x29: {  	s0 =	rddreg [dreg:$0xf]  }
0x2a: {  	[tilespmem:s11], [sflag:$0x3] =	stream.indirect.gather [spmem:s2], $0x80, s0, s16, $0xb8;
	[tilespmem:$0x12140] =	vst v63  }
0x2b: {  	s31 =	rddreg [dreg:$0x10]  }
0x2c: {  	[tilespmem:s9], [sflag:$0x4] =	stream.indirect.gather [spmem:s2], $0x80, s31, s16, $0xb8;
	[tilespmem:$0x12140] =	vst v63  }
0x2d: {  	s0 =	rddreg [dreg:$0x11]  }
0x2e: {  	[tilespmem:s8], [sflag:$0x5] =	stream.indirect.gather [spmem:s2], $0x80, s0, s16, $0xb8;
	[tilespmem:$0x12140] =	vst v63  }
0x2f: {  	s23 =	simm.s32 $0x2080  }
0x30: {  	[tilespmem:s7], [sflag:$0x6] =	stream.indirect.gather [spmem:s2], $0x80, s23, s16, $0xb8;
	[tilespmem:$0x12140] =	vst v63  }
0x31: {  	s25 =	simm.s32 $0x20C0  }
0x32: {  	[tilespmem:s6], [sflag:$0x7] =	stream.indirect.gather [spmem:s2], $0x80, s25, s16, $0xb8;
	[tilespmem:$0x12140] =	vst v63  }
0x33: {  	s23 =	simm.s32 $0x2100  }
0x34: {  	[tilespmem:s5], [sflag:$0x8] =	stream.indirect.gather [spmem:s2], $0x80, s23, s16, $0xb8;
	[tilespmem:$0x12140] =	vst v63  }
0x35: {  	_ =	swait.ge [sflag:s26], $0x2000  }
0x36: {  	[sflag:s26] =	ssyncset.done $0x0  }
0x37: {  	[sflag:s26] =	ssyncadd.s32 $0xFFFFE000  }
0x38: {  	[hbm4b:s4+s1] =	stream.linear.scatter [tilespmem:s13], [sflag:$0x9], $0x2000, $0x38;
	[tilespmem:$0x12140] =	vst v63  }
0x39: {  	_ =	swait.ge [sflag:s21], $0x2000  }
0x3a: {  	[sflag:s21] =	ssyncset.done $0x0  }
0x3b: {  	s23 =	rddreg [dreg:$0x6];
	[sflag:s21] =	ssyncadd.s32 $0xFFFFE000  }
0x3c: {  	[hbm4b:s23+s1] =	stream.linear.scatter [tilespmem:s12], [sflag:$0x9], $0x2000, $0x38;
	[tilespmem:$0x12140] =	vst v63  }
0x3d: {  	_ =	swait.ge [sflag:s20], $0x2000  }
0x3e: {  	[sflag:s20] =	ssyncset.done $0x0  }
0x3f: {  	s23 =	rddreg [dreg:$0x7];
	[sflag:s20] =	ssyncadd.s32 $0xFFFFE000  }
0x40: {  	[hbm4b:s23+s1] =	stream.linear.scatter [tilespmem:s11], [sflag:$0x9], $0x2000, $0x38;
	[tilespmem:$0x12140] =	vst v63  }
0x41: {  	_ =	swait.ge [sflag:s19], $0x2000  }
0x42: {  	[sflag:s19] =	ssyncset.done $0x0  }
0x43: {  	s23 =	rddreg [dreg:$0x8];
	[sflag:s19] =	ssyncadd.s32 $0xFFFFE000  }
0x44: {  	[hbm4b:s23+s1] =	stream.linear.scatter [tilespmem:s9], [sflag:$0x9], $0x2000, $0x38;
	[tilespmem:$0x12140] =	vst v63  }
0x45: {  	_ =	swait.ge [sflag:s17], $0x2000  }
0x46: {  	[sflag:s17] =	ssyncset.done $0x0  }
0x47: {  	s23 =	rddreg [dreg:$0x9];
	[sflag:s17] =	ssyncadd.s32 $0xFFFFE000  }
0x48: {  	[hbm4b:s23+s1] =	stream.linear.scatter [tilespmem:s8], [sflag:$0x9], $0x2000, $0x38;
	[tilespmem:$0x12140] =	vst v63  }
0x49: {  	_ =	swait.ge [sflag:s15], $0x2000  }
0x4a: {  	[sflag:s15] =	ssyncset.done $0x0  }
0x4b: {  	s23 =	rddreg [dreg:$0xa];
	[sflag:s15] =	ssyncadd.s32 $0xFFFFE000  }
0x4c: {  	[hbm4b:s23+s1] =	stream.linear.scatter [tilespmem:s7], [sflag:$0x9], $0x2000, $0x38;
	[tilespmem:$0x12140] =	vst v63  }
0x4d: {  	_ =	swait.ge [sflag:s14], $0x2000  }
0x4e: {  	[sflag:s14] =	ssyncset.done $0x0  }
0x4f: {  	s23 =	rddreg [dreg:$0xb];
	[sflag:s14] =	ssyncadd.s32 $0xFFFFE000  }
0x50: {  	[hbm4b:s23+s1] =	stream.linear.scatter [tilespmem:s6], [sflag:$0x9], $0x2000, $0x38;
	[tilespmem:$0x12140] =	vst v63  }
0x51: {  	_ =	swait.ge [sflag:s10], $0x2000  }
0x52: {  	[sflag:s10] =	ssyncset.done $0x0  }
0x53: {  	s23 =	rddreg [dreg:$0xc];
	[sflag:s10] =	ssyncadd.s32 $0xFFFFE000  }
0x54: {  	[hbm4b:s23+s1] =	stream.linear.scatter [tilespmem:s5], [sflag:$0x9], $0x2000, $0x38;
	[tilespmem:$0x12140] =	vst v63  }
0x55: {  	_ =	swait.ge [sflag:s3], $0x2000  }
0x56: {  	[sflag:s3] =	ssyncset.done $0x0  }
0x57: {  	[sflag:s3] =	ssyncadd.s32 $0xFFFFE000  }
0x58: {  	_ =	swait.ge [sflag:s3], $0x2000  }
0x59: {  	[sflag:s3] =	ssyncset.done $0x0  }
0x5a: {  	[sflag:s3] =	ssyncadd.s32 $0xFFFFE000  }
0x5b: {  	_ =	swait.ge [sflag:s3], $0x2000  }
0x5c: {  	[sflag:s3] =	ssyncset.done $0x0  }
0x5d: {  	[sflag:s3] =	ssyncadd.s32 $0xFFFFE000  }
0x5e: {  	_ =	swait.ge [sflag:s3], $0x2000  }
0x5f: {  	[sflag:s3] =	ssyncset.done $0x0  }
0x60: {  	[sflag:s3] =	ssyncadd.s32 $0xFFFFE000  }
0x61: {  	_ =	swait.ge [sflag:s3], $0x2000  }
0x62: {  	[sflag:s3] =	ssyncset.done $0x0  }
0x63: {  	[sflag:s3] =	ssyncadd.s32 $0xFFFFE000  }
0x64: {  	_ =	swait.ge [sflag:s3], $0x2000  }
0x65: {  	[sflag:s3] =	ssyncset.done $0x0  }
0x66: {  	[sflag:s3] =	ssyncadd.s32 $0xFFFFE000  }
0x67: {  	_ =	swait.ge [sflag:s3], $0x2000  }
0x68: {  	s23 =	rddreg [dreg:$0x12]  }
0x69: {  	s31 =	sadd.s32 $0xFFFFFFFF, s23  }
0x6a: {  	p2 =	sne.s32 s31, $0x0  }
.Ltmp1:
0x6b: {  	_ = 	snop;
	(pc) =	sbr.rel @!p2 .LBB2_2-.Ltmp1, $4  }
0x6c: {  	[sflag:s3] =	ssyncset.done $0x0  }
0x6d: {  	s29 =	simm.s32 $0x20C0;
	[sflag:s3] =	ssyncadd.s32 $0xFFFFE000  }
0x6e: {  	p1 =	por $0x1, $0x1;
	s28 =	simm.s32 $0x2080;
	_ =	swait.ge [sflag:s3], $0x2000  }
0x6f: {  	s25 =	simm.s32 $0x2100;
	s0 =	rddreg [dreg:$0x5];
	[sflag:s3] =	ssyncset.done $0x0  }
.LBB2_3:
0x70: {  	[sflag:s3] =	ssyncadd.s32 $0xFFFFE000  }
0x71: {  	[tilespmem:s22], [sflag:$0xA] =	stream.linear.gather [hbm4b:s0+s1], $0x200, $0x38;
	[tilespmem:$0x12140] =	vst v63  }
0x72: {  	_ =	swait.ge [sflag:s24], $0x200  }
0x73: {  	[sflag:s24] =	ssyncset.done $0x0  }
0x74: {  	[sflag:s24] =	ssyncadd.s32 $0xFFFFFE00  }
0x75: {  	[tilespmem:s13], [sflag:$0x1] =	stream.indirect.gather [hbm4b:s18+s16], $0x80, s22, s16, $0xb8;
	[tilespmem:$0x12140] =	vst v63  }
0x76: {  	s23 =	rddreg [dreg:$0xd]  }
0x77: {  	[tilespmem:s12], [sflag:$0x2] =	stream.indirect.gather [hbm4b:s18+s16], $0x80, s23, s16, $0xb8;
	[tilespmem:$0x12140] =	vst v63  }
0x78: {  	s0 =	rddreg [dreg:$0xe];
	s23 =	simm.s32 @!p0 $0x1C0A  }
0x79: {  	[spmem:s0], [sflag:s23] =	dma.local @!p0 [hbm:s18], $0x3E80  }
0x7a: {  	_ =	swait.ge @!p0 [sflag:s30], $0x3E80  }
0x7b: {  	[sflag:s30] =	ssyncset.done @!p0 $0x0  }
0x7c: {  	[sflag:s30] =	ssyncadd.s32 @!p0 $0xFFFFC180  }
0x7d: {  	[bflag:$0x0] =	sbarrier.arrive $0xFFFF  }
0x7e: {  	s0 =	rddreg [dreg:$0xf]  }
0x7f: {  	[tilespmem:s11], [sflag:$0x3] =	stream.indirect.gather [spmem:s2], $0x80, s0, s16, $0xb8;
	[tilespmem:$0x12140] =	vst v63  }
0x80: {  	s23 =	rddreg [dreg:$0x10]  }
0x81: {  	[tilespmem:s9], [sflag:$0x4] =	stream.indirect.gather [spmem:s2], $0x80, s23, s16, $0xb8;
	[tilespmem:$0x12140] =	vst v63  }
0x82: {  	s0 =	rddreg [dreg:$0x11]  }
0x83: {  	[tilespmem:s8], [sflag:$0x5] =	stream.indirect.gather [spmem:s2], $0x80, s0, s16, $0xb8;
	[tilespmem:$0x12140] =	vst v63  }
0x84: {  	_ = 	snop  }
0x85: {  	[tilespmem:s7], [sflag:$0x6] =	stream.indirect.gather [spmem:s2], $0x80, s28, s16, $0xb8;
	[tilespmem:$0x12140] =	vst v63  }
0x86: {  	_ = 	snop  }
0x87: {  	[tilespmem:s6], [sflag:$0x7] =	stream.indirect.gather [spmem:s2], $0x80, s29, s16, $0xb8;
	[tilespmem:$0x12140] =	vst v63  }
0x88: {  	_ = 	snop  }
0x89: {  	[tilespmem:s5], [sflag:$0x8] =	stream.indirect.gather [spmem:s2], $0x80, s25, s16, $0xb8;
	[tilespmem:$0x12140] =	vst v63  }
0x8a: {  	_ =	swait.ge [sflag:s26], $0x2000  }
0x8b: {  	[sflag:s26] =	ssyncset.done $0x0  }
0x8c: {  	[sflag:s26] =	ssyncadd.s32 $0xFFFFE000  }
0x8d: {  	[hbm4b:s4+s1] =	stream.linear.scatter [tilespmem:s13], [sflag:$0x9], $0x2000, $0x38;
	[tilespmem:$0x12140] =	vst v63  }
0x8e: {  	_ =	swait.ge [sflag:s21], $0x2000  }
0x8f: {  	[sflag:s21] =	ssyncset.done $0x0  }
0x90: {  	s23 =	rddreg [dreg:$0x6];
	[sflag:s21] =	ssyncadd.s32 $0xFFFFE000  }
0x91: {  	[hbm4b:s23+s1] =	stream.linear.scatter [tilespmem:s12], [sflag:$0x9], $0x2000, $0x38;
	[tilespmem:$0x12140] =	vst v63  }
0x92: {  	_ =	swait.ge [sflag:s20], $0x2000  }
0x93: {  	[sflag:s20] =	ssyncset.done $0x0  }
0x94: {  	s23 =	rddreg [dreg:$0x7];
	[sflag:s20] =	ssyncadd.s32 $0xFFFFE000  }
0x95: {  	[hbm4b:s23+s1] =	stream.linear.scatter [tilespmem:s11], [sflag:$0x9], $0x2000, $0x38;
	[tilespmem:$0x12140] =	vst v63  }
0x96: {  	_ =	swait.ge [sflag:s19], $0x2000  }
0x97: {  	[sflag:s19] =	ssyncset.done $0x0  }
0x98: {  	s23 =	rddreg [dreg:$0x8];
	[sflag:s19] =	ssyncadd.s32 $0xFFFFE000  }
0x99: {  	[hbm4b:s23+s1] =	stream.linear.scatter [tilespmem:s9], [sflag:$0x9], $0x2000, $0x38;
	[tilespmem:$0x12140] =	vst v63  }
0x9a: {  	_ =	swait.ge [sflag:s17], $0x2000  }
0x9b: {  	[sflag:s17] =	ssyncset.done $0x0  }
0x9c: {  	s23 =	rddreg [dreg:$0x9];
	[sflag:s17] =	ssyncadd.s32 $0xFFFFE000  }
0x9d: {  	[hbm4b:s23+s1] =	stream.linear.scatter [tilespmem:s8], [sflag:$0x9], $0x2000, $0x38;
	[tilespmem:$0x12140] =	vst v63  }
0x9e: {  	_ =	swait.ge [sflag:s15], $0x2000  }
0x9f: {  	[sflag:s15] =	ssyncset.done $0x0  }
0xa0: {  	s23 =	rddreg [dreg:$0xa];
	[sflag:s15] =	ssyncadd.s32 $0xFFFFE000  }
0xa1: {  	[hbm4b:s23+s1] =	stream.linear.scatter [tilespmem:s7], [sflag:$0x9], $0x2000, $0x38;
	[tilespmem:$0x12140] =	vst v63  }
0xa2: {  	_ =	swait.ge [sflag:s14], $0x2000  }
0xa3: {  	[sflag:s14] =	ssyncset.done $0x0  }
0xa4: {  	s23 =	rddreg [dreg:$0xb];
	[sflag:s14] =	ssyncadd.s32 $0xFFFFE000  }
0xa5: {  	[hbm4b:s23+s1] =	stream.linear.scatter [tilespmem:s6], [sflag:$0x9], $0x2000, $0x38;
	[tilespmem:$0x12140] =	vst v63  }
0xa6: {  	_ =	swait.ge [sflag:s10], $0x2000  }
0xa7: {  	[sflag:s10] =	ssyncset.done $0x0  }
0xa8: {  	s23 =	rddreg [dreg:$0xc];
	[sflag:s10] =	ssyncadd.s32 $0xFFFFE000  }
0xa9: {  	[hbm4b:s23+s1] =	stream.linear.scatter [tilespmem:s5], [sflag:$0x9], $0x2000, $0x38;
	[tilespmem:$0x12140] =	vst v63  }
0xaa: {  	_ =	swait.ge [sflag:s3], $0x2000  }
0xab: {  	[sflag:s3] =	ssyncset.done $0x0  }
0xac: {  	[sflag:s3] =	ssyncadd.s32 $0xFFFFE000  }
0xad: {  	_ =	swait.ge [sflag:s3], $0x2000  }
0xae: {  	[sflag:s3] =	ssyncset.done $0x0  }
0xaf: {  	[sflag:s3] =	ssyncadd.s32 $0xFFFFE000  }
0xb0: {  	_ =	swait.ge [sflag:s3], $0x2000  }
0xb1: {  	[sflag:s3] =	ssyncset.done $0x0  }
0xb2: {  	[sflag:s3] =	ssyncadd.s32 $0xFFFFE000  }
0xb3: {  	_ =	swait.ge [sflag:s3], $0x2000  }
0xb4: {  	[sflag:s3] =	ssyncset.done $0x0  }
0xb5: {  	[sflag:s3] =	ssyncadd.s32 $0xFFFFE000  }
0xb6: {  	_ =	swait.ge [sflag:s3], $0x2000  }
0xb7: {  	[sflag:s3] =	ssyncset.done $0x0  }
0xb8: {  	[sflag:s3] =	ssyncadd.s32 $0xFFFFE000  }
0xb9: {  	_ =	swait.ge [sflag:s3], $0x2000  }
0xba: {  	s31 =	sadd.s32 $0xFFFFFFFF, s31;
	[sflag:s3] =	ssyncset.done $0x0  }
0xbb: {  	p2 =	sne.s32 s31, $0x0;
	[sflag:s3] =	ssyncadd.s32 $0xFFFFE000  }
.Ltmp2:
0xbc: {  	_ =	swait.ge [sflag:s3], $0x2000;
	(pc) =	sbr.rel @p2 .LBB2_3-.Ltmp2, $4  }
0xbd: {  	[sflag:s3] =	ssyncset.done $0x0  }
0xbe: {  	[sflag:s3] =	ssyncadd.s32 $0xFFFFE000  }
0xbf: {  	_ =	swait.ge [sflag:s3], $0x2000  }
0xc0: {  	s0 =	rddreg [dreg:$0x5];
	[sflag:s3] =	ssyncset.done $0x0  }
0xc1: {  	s23 =	rddreg [dreg:$0x4]  }
0xc2: {  	s25 =	simm.s32 $0x2080;
	s28 =	simm.s32 $0x20C0;
	s29 =	simm.s32 $0x2100  }
.LBB2_5:
0xc3: {  	[sflag:s3] =	ssyncadd.s32 @p1 $0xFFFFE000  }
0xc4: {  	[tilespmem:s22], [sflag:$0xA] =	stream.linear.gather [hbm4b:s0+s1], $0x200, $0x38;
	[tilespmem:$0x12140] =	vst v63  }
0xc5: {  	_ =	swait.ge [sflag:s24], $0x200  }
0xc6: {  	[sflag:s24] =	ssyncset.done $0x0  }
0xc7: {  	[sflag:s24] =	ssyncadd.s32 $0xFFFFFE00;
	s24 =	rddreg [dreg:$0xd]  }
0xc8: {  	[tilespmem:s13], [sflag:$0x1] =	stream.indirect.gather [hbm4b:s18+s16], $0x80, s22, s16, $0xb8;
	[tilespmem:$0x12140] =	vst v63  }
0xc9: {  	s0 =	simm.s32 @!p0 $0x1C0A;
	s22 =	rddreg [dreg:$0xe]  }
0xca: {  	[tilespmem:s12], [sflag:$0x2] =	stream.indirect.gather [hbm4b:s18+s16], $0x80, s24, s16, $0xb8;
	[tilespmem:$0x12140] =	vst v63  }
0xcb: {  	[spmem:s22], [sflag:s0] =	dma.local @!p0 [hbm:s18], $0x3E80  }
0xcc: {  	s0 =	simm.s32 @!p0 $0xA  }
0xcd: {  	_ =	swait.ge @!p0 [sflag:s0], $0x3E80  }
0xce: {  	[sflag:s0] =	ssyncset.done @!p0 $0x0  }
0xcf: {  	[sflag:s0] =	ssyncadd.s32 @!p0 $0xFFFFC180  }
0xd0: {  	[bflag:$0x0] =	sbarrier.arrive $0xFFFF  }
0xd1: {  	s30 =	rddreg [dreg:$0xf]  }
0xd2: {  	[tilespmem:s11], [sflag:$0x3] =	stream.indirect.gather [spmem:s2], $0x80, s30, s16, $0xb8;
	[tilespmem:$0x12140] =	vst v63  }
0xd3: {  	s31 =	rddreg [dreg:$0x10]  }
0xd4: {  	[tilespmem:s9], [sflag:$0x4] =	stream.indirect.gather [spmem:s2], $0x80, s31, s16, $0xb8;
	[tilespmem:$0x12140] =	vst v63  }
0xd5: {  	s22 =	rddreg [dreg:$0x11]  }
0xd6: {  	[tilespmem:s8], [sflag:$0x5] =	stream.indirect.gather [spmem:s2], $0x80, s22, s16, $0xb8;
	[tilespmem:$0x12140] =	vst v63  }
0xd7: {  	_ = 	snop  }
0xd8: {  	[tilespmem:s7], [sflag:$0x6] =	stream.indirect.gather [spmem:s2], $0x80, s25, s16, $0xb8;
	[tilespmem:$0x12140] =	vst v63  }
0xd9: {  	_ = 	snop  }
0xda: {  	[tilespmem:s6], [sflag:$0x7] =	stream.indirect.gather [spmem:s2], $0x80, s28, s16, $0xb8;
	[tilespmem:$0x12140] =	vst v63  }
0xdb: {  	_ = 	snop  }
0xdc: {  	[tilespmem:s5], [sflag:$0x8] =	stream.indirect.gather [spmem:s2], $0x80, s29, s16, $0xb8;
	[tilespmem:$0x12140] =	vst v63  }
0xdd: {  	_ =	swait.ge [sflag:s26], $0x2000  }
0xde: {  	[sflag:s26] =	ssyncset.done $0x0  }
0xdf: {  	[sflag:s26] =	ssyncadd.s32 $0xFFFFE000  }
0xe0: {  	[hbm4b:s4+s1] =	stream.linear.scatter [tilespmem:s13], [sflag:$0x9], $0x2000, $0x38;
	[tilespmem:$0x12140] =	vst v63  }
0xe1: {  	_ =	swait.ge [sflag:s21], $0x2000  }
0xe2: {  	[sflag:s21] =	ssyncset.done $0x0  }
0xe3: {  	s24 =	rddreg [dreg:$0x6];
	[sflag:s21] =	ssyncadd.s32 $0xFFFFE000  }
0xe4: {  	[hbm4b:s24+s1] =	stream.linear.scatter [tilespmem:s12], [sflag:$0x9], $0x2000, $0x38;
	[tilespmem:$0x12140] =	vst v63  }
0xe5: {  	_ =	swait.ge [sflag:s20], $0x2000  }
0xe6: {  	[sflag:s20] =	ssyncset.done $0x0  }
0xe7: {  	s25 =	rddreg [dreg:$0x7];
	[sflag:s20] =	ssyncadd.s32 $0xFFFFE000  }
0xe8: {  	[hbm4b:s25+s1] =	stream.linear.scatter [tilespmem:s11], [sflag:$0x9], $0x2000, $0x38;
	[tilespmem:$0x12140] =	vst v63  }
0xe9: {  	_ =	swait.ge [sflag:s19], $0x2000  }
0xea: {  	[sflag:s19] =	ssyncset.done $0x0  }
0xeb: {  	s26 =	rddreg [dreg:$0x8];
	[sflag:s19] =	ssyncadd.s32 $0xFFFFE000  }
0xec: {  	[hbm4b:s26+s1] =	stream.linear.scatter [tilespmem:s9], [sflag:$0x9], $0x2000, $0x38;
	[tilespmem:$0x12140] =	vst v63  }
0xed: {  	_ =	swait.ge [sflag:s17], $0x2000  }
0xee: {  	[sflag:s17] =	ssyncset.done $0x0  }
0xef: {  	s28 =	rddreg [dreg:$0x9];
	[sflag:s17] =	ssyncadd.s32 $0xFFFFE000  }
0xf0: {  	[hbm4b:s28+s1] =	stream.linear.scatter [tilespmem:s8], [sflag:$0x9], $0x2000, $0x38;
	[tilespmem:$0x12140] =	vst v63  }
0xf1: {  	_ =	swait.ge [sflag:s15], $0x2000  }
0xf2: {  	[sflag:s15] =	ssyncset.done $0x0  }
0xf3: {  	s29 =	rddreg [dreg:$0xa];
	[sflag:s15] =	ssyncadd.s32 $0xFFFFE000  }
0xf4: {  	[hbm4b:s29+s1] =	stream.linear.scatter [tilespmem:s7], [sflag:$0x9], $0x2000, $0x38;
	[tilespmem:$0x12140] =	vst v63  }
0xf5: {  	_ =	swait.ge [sflag:s14], $0x2000  }
0xf6: {  	[sflag:s14] =	ssyncset.done $0x0  }
0xf7: {  	s30 =	rddreg [dreg:$0xb];
	[sflag:s14] =	ssyncadd.s32 $0xFFFFE000  }
0xf8: {  	[hbm4b:s30+s1] =	stream.linear.scatter [tilespmem:s6], [sflag:$0x9], $0x2000, $0x38;
	[tilespmem:$0x12140] =	vst v63  }
0xf9: {  	_ =	swait.ge [sflag:s10], $0x2000  }
0xfa: {  	[sflag:s10] =	ssyncset.done $0x0  }
0xfb: {  	s31 =	rddreg [dreg:$0xc];
	[sflag:s10] =	ssyncadd.s32 $0xFFFFE000  }
0xfc: {  	[hbm4b:s31+s1] =	stream.linear.scatter [tilespmem:s5], [sflag:$0x9], $0x2000, $0x38;
	[tilespmem:$0x12140] =	vst v63  }
0xfd: {  	_ =	swait.ge [sflag:s3], $0x2000  }
0xfe: {  	[sflag:s3] =	ssyncset.done $0x0  }
0xff: {  	[sflag:s3] =	ssyncadd.s32 $0xFFFFE000  }
0x100: {  	_ =	swait.ge [sflag:s3], $0x2000  }
0x101: {  	[sflag:s3] =	ssyncset.done $0x0  }
0x102: {  	[sflag:s3] =	ssyncadd.s32 $0xFFFFE000  }
0x103: {  	_ =	swait.ge [sflag:s3], $0x2000  }
0x104: {  	[sflag:s3] =	ssyncset.done $0x0  }
0x105: {  	[sflag:s3] =	ssyncadd.s32 $0xFFFFE000  }
0x106: {  	_ =	swait.ge [sflag:s3], $0x2000  }
0x107: {  	[sflag:s3] =	ssyncset.done $0x0  }
0x108: {  	[sflag:s3] =	ssyncadd.s32 $0xFFFFE000  }
0x109: {  	_ =	swait.ge [sflag:s3], $0x2000  }
0x10a: {  	[sflag:s3] =	ssyncset.done $0x0  }
0x10b: {  	[sflag:s3] =	ssyncadd.s32 $0xFFFFE000  }
0x10c: {  	_ =	swait.ge [sflag:s3], $0x2000  }
0x10d: {  	[sflag:s3] =	ssyncset.done $0x0  }
0x10e: {  	[sflag:s3] =	ssyncadd.s32 $0xFFFFE000  }
0x10f: {  	_ =	swait.ge [sflag:s3], $0x2000  }
0x110: {  	[sflag:s3] =	ssyncset.done $0x0  }
0x111: {  	[sflag:s3] =	ssyncadd.s32 $0xFFFFE000  }
0x112: {  	_ =	swait.ge [sflag:s3], $0x2000  }
0x113: {  	[sflag:s3] =	ssyncset.done $0x0  }
0x114: {  	[sflag:s3] =	ssyncadd.s32 $0xFFFFE000  }
0x115: {  	_ =	sfence.sel $0x180000  }
0x116: {  	[bflag:$0x0] =	sbarrier.arrive $0xFFFF  }
0x117: {  	_ =	strace $0x90000047  }
0x118: {  	s0 =	sadd.s32 @!p0 $0x100000, s23;
	[bflag:$0x2] =	sbarrier.arrive $0xFFFF  }
0x119: {  	[sflag:s0] =	ssyncadd.tile.s32 @!p0 $0x1;
	_ =	shalt  }
.LBB2_2:
.Ltmp3:
0x11a: {  	(pc) =	sbr.rel .LBB2_5-.Ltmp3, $3  }
0x11b: {  	_ =	sdelay $0x1  }
0x11c: {  	s23 =	rddreg [dreg:$0x4]  }
0x11d: {  	s25 =	simm.s32 $0x2080;
	s28 =	simm.s32 $0x20C0;
	s29 =	simm.s32 $0x2100  }
.Lfunc_end2:
_tile_overlayer_lowered:
.L_overlay_start_2:
0x11e: {  	(tag) =	ssettag $0x2  }
0x11f: {  	s0 =	rddreg [dreg:$0x0];
	s2 =	stileid.u32  }
0x120: {  	s1 =	rddreg [dreg:$0x1];
	p0 =	sne.s32 s2, $0x0  }
0x121: {  	s3 =	rddreg [dreg:$0x2];
	[bflag:$0x3] =	sbarrier.arrive $0xFFFF;
	s2 =	simm.s32 @!p0 $0x1C0A  }
0x122: {  	[timem:s3], [sflag:s2] =	dma.local @!p0 [hbm:s0], s1  }
0x123: {  	s0 =	simm.s32 @!p0 $0xA  }
0x124: {  	_ =	swait.ge @!p0 [sflag:s0], s1  }
0x125: {  	s1 =	ssub.s32 @!p0 $0x0, s1;
	[sflag:s0] =	ssyncset.done @!p0 $0x0  }
0x126: {  	[sflag:s0] =	ssyncadd.s32 @!p0 s1  }
0x127: {  	[bflag:$0x3] =	sbarrier.arrive $0xFFFF  }
0x128: {  	_ =	shalt  }

</sc_bundles>
